<compile_context>
chip_gen: v7x
topology: tpu7x:2x2x1
jax: 0.10.2.dev20260603
libtpu: 0.0.44.dev20260713+nightly
codegen_flags: <defaults>
</compile_context>

<pallas_src>
import functools

import jax
import jax.numpy as jnp
from jax import lax
from jax.experimental import pallas as pl
from jax.experimental.pallas import tpu as pltpu
from jax.experimental.pallas import tpu_sc as plsc

_D = 4
_N = 1024
_E = 16384
_DD = _D * _D
_ELEMS = _N * _N * _DD
_NC = 2
_NS = 16
_L = 16
_HALF = _ELEMS // _NC
_ZELEM = _HALF // _NS
_ZBUF = 32768
_NZDMA = _ZELEM // _ZBUF
_EPS = _E // _NS
_NCHUNK = _EPS // _L
_NELEM = _EPS * _DD
_IB = 128
_IK = 16
_NSCAT = _NELEM // (_IK * _IB)


@functools.partial(
    pl.kernel,
    out_type=jax.ShapeDtypeStruct((_ELEMS,), jnp.float32),
    mesh=plsc.VectorSubcoreMesh(core_axis_name="c", subcore_axis_name="s",
                                num_cores=_NC, num_subcores=_NS),
    compiler_params=pltpu.CompilerParams(needs_layout_passes=False,
                                         use_tc_tiling_on_sc=False),
    scratch_types=[
        pltpu.VMEM((_N, _D), jnp.float32),
        pltpu.VMEM((_DD * _D,), jnp.float32),
        pltpu.VMEM((_EPS,), jnp.int32),
        pltpu.VMEM((_EPS,), jnp.int32),
        pltpu.VMEM((_NELEM // _IB, _IB), jnp.int32),
        pltpu.VMEM((_NELEM // _IB, _IB), jnp.float32),
        pltpu.VMEM((_ZBUF,), jnp.float32),
        pltpu.SemaphoreType.DMA,
        pltpu.SemaphoreType.DMA,
        pltpu.SemaphoreType.DMA,
    ],
)
def _sheaf_sc(x_hbm, src_hbm, dst_hbm, w_hbm, out_hbm,
              x_v, w_v, src_v, dst_v, idx_v, val_v, z_v,
              in_sem, z_sem, s_sem):
    cid = lax.axis_index("c")
    sid = lax.axis_index("s")

    ebase = sid * _EPS
    in_copies = [
        pltpu.async_copy(x_hbm, x_v, in_sem),
        pltpu.async_copy(w_hbm, w_v, in_sem),
        pltpu.async_copy(src_hbm.at[pl.ds(ebase, _EPS)], src_v, in_sem),
        pltpu.async_copy(dst_hbm.at[pl.ds(ebase, _EPS)], dst_v, in_sem),
    ]

    zvec = jnp.zeros((_L,), jnp.float32)

    def _zinit(i, carry):
        z_v[pl.ds(i * _L, _L)] = zvec
        return carry

    lax.fori_loop(0, _ZBUF // _L, _zinit, 0)

    zbase = cid * _HALF + sid * _ZELEM
    z_copies = []
    for j in range(_NZDMA):
        z_copies.append(
            pltpu.async_copy(z_v, out_hbm.at[pl.ds(zbase + j * _ZBUF, _ZBUF)],
                             z_sem))

    for c in in_copies:
        c.wait()

    wvecs = [w_v[pl.ds(j * _L, _L)] for j in range(_DD * _D // _L)]
    wsc = [wvecs[i // _L][i % _L] for i in range(_DD * _D)]
    lanes = lax.iota(jnp.int32, _L)

    def _chunk(i, carry):
        s16 = src_v[pl.ds(i * _L, _L)]
        d16 = dst_v[pl.ds(i * _L, _L)]
        abase = s16 * (_DD * _N) + (d16 >> 7) * 512 + (d16 & 127)
        diffs = []
        for k in range(_D):
            kk = jnp.full((_L,), k, jnp.int32)
            a = plsc.load_gather(x_v, [s16, kk])
            b = plsc.load_gather(x_v, [d16, kk])
            diffs.append(jnp.abs(a - b))
        for c in range(_DD):
            acc = diffs[0] * wsc[c * _D]
            for k in range(1, _D):
                acc = acc + diffs[k] * wsc[c * _D + k]
            row = c * (_EPS // _IB) + i // 8
            col = pl.ds((i % 8) * _L, _L)
            val_v[row, col] = acc
            ci, cj = c // _D, c % _D
            idx_v[row, col] = abase + (ci * _D * _N + cj * 128)
        return carry

    lax.fori_loop(0, _NCHUNK, _chunk, 0)

    for c in z_copies:
        c.wait()
    plsc.subcore_barrier()

    def _scat(j, carry):
        pltpu.async_copy(val_v.at[j], out_hbm.at[idx_v.at[j]], s_sem)
        return carry

    lax.fori_loop(0, _NELEM // _IB, _scat, 0)

    def _drain(j, carry):
        pltpu.make_async_copy(val_v.at[j], out_hbm.at[idx_v.at[j]],
                              s_sem).wait()
        return carry

    lax.fori_loop(0, _NELEM // _IB, _drain, 0)


def kernel(x, edge_index, W):
    ei = edge_index.astype(jnp.int32)
    raw = _sheaf_sc(x, ei[0], ei[1], W.reshape(-1))
    r5 = raw.reshape(_N, _D, _N // 128, _D, 128)
    return r5.transpose(0, 2, 4, 1, 3).reshape(_N, _N, _D, _D)

# --- scband reference (transcript-rebuilt; emitter-appended) ---
"""Pipeline reference for scband-sheaf-learning-52982716564306 (READ-ONLY COPY).

The authoritative reference and input builder live on the scoring server;
editing this copy changes nothing except your own understanding.
"""

import jax, jax.numpy as jnp
import numpy as np

D = 4
N_NODES = 1024
N_EDGES = 16384

def setup_inputs(seed: int = 0) -> dict:
    key = jax.random.key(seed)
    k1, k2, k3 = jax.random.split(key, 3)
    x = jax.random.normal(k1, (N_NODES, D), dtype=jnp.float32)
    edge_index = jax.random.randint(k2, (2, N_EDGES), 0, N_NODES, dtype=jnp.int64)
    # Phi: PyG-style MLP with num_layers=1 and bias=False reduces to a single
    # Linear(in_channels=D, out_channels=D*D, bias=False). Weight shape [D*D, D].
    W = jax.random.normal(k3, (D * D, D), dtype=jnp.float32) * (1.0 / np.sqrt(D))
    return {"x": x, "edge_index": edge_index, "W": W}

def reference(x, edge_index, W):
    # sym=True branch: x_in = |x[src] - x[dst]|
    src = edge_index[0]
    dst = edge_index[1]
    x_in = jnp.abs(jnp.take(x, src, axis=0) - jnp.take(x, dst, axis=0))  # [E, D]
    R_tmp = x_in @ W.T                                                    # [E, D*D]
    R_tmp = R_tmp.reshape(-1, D, D)                                       # [E, D, D]
    n = x.shape[0]
    # torch.empty + indexed assignment -> zeros + scatter-overwrite in jax
    R = jnp.zeros((n, n, D, D), dtype=x.dtype)
    R = R.at[src, dst, :, :].set(R_tmp)
    return R

if __name__ == "__main__":
    import jax
    _d = setup_inputs()
    print(jax.jit(kernel)(*tuple(_d.values())))

</pallas_src>

<mosaic_0001>
#map = affine_map<(d0, d1) -> (0, 0)>
#map1 = affine_map<(d0, d1) -> (0)>
module attributes {stable_mosaic.version = 14 : i64} {
  func.func @_sheaf_sc(%arg0: i32, %arg1: i32, %arg2: memref<1024x4xf32, #tpu.memory_space<hbm>>, %arg3: memref<16384xi32, #tpu.memory_space<hbm>>, %arg4: memref<16384xi32, #tpu.memory_space<hbm>>, %arg5: memref<64xf32, #tpu.memory_space<hbm>>, %arg6: memref<16777216xf32, #tpu.memory_space<hbm>>, %arg7: memref<1024x4xf32, #tpu.memory_space<vmem>>, %arg8: memref<64xf32, #tpu.memory_space<vmem>>, %arg9: memref<1024xi32, #tpu.memory_space<vmem>>, %arg10: memref<1024xi32, #tpu.memory_space<vmem>>, %arg11: memref<128x128xi32, #tpu.memory_space<vmem>>, %arg12: memref<128x128xf32, #tpu.memory_space<vmem>>, %arg13: memref<32768xf32, #tpu.memory_space<vmem>>, %arg14: memref<!tpu.dma_semaphore, #tpu.memory_space<semaphore_mem>>, %arg15: memref<!tpu.dma_semaphore, #tpu.memory_space<semaphore_mem>>, %arg16: memref<!tpu.dma_semaphore, #tpu.memory_space<semaphore_mem>>) attributes {dimension_semantics = [#tpu.dimension_semantics<core_parallel>, #tpu.dimension_semantics<subcore_parallel>], iteration_bounds = array<i64: 2, 16>, scalar_prefetch = 0 : i64, scratch_operands = 10 : i64, tpu.core_type = #tpu.core_type<sc_vector_subcore>, window_params = [{transform_indices = #map}, {transform_indices = #map1}, {transform_indices = #map1}, {transform_indices = #map1}, {transform_indices = #map1}]} {
    %mul3A = arith.constant 1024 : i32
    %mul3A_0 = arith.muli %arg1, %mul3A : i32
    tpu.enqueue_dma source(%arg2 : memref<1024x4xf32, #tpu.memory_space<hbm>>) target(%arg7 : memref<1024x4xf32, #tpu.memory_space<vmem>>) target_semaphore(%arg14 : memref<!tpu.dma_semaphore, #tpu.memory_space<semaphore_mem>>)
    tpu.enqueue_dma source(%arg5 : memref<64xf32, #tpu.memory_space<hbm>>) target(%arg8 : memref<64xf32, #tpu.memory_space<vmem>>) target_semaphore(%arg14 : memref<!tpu.dma_semaphore, #tpu.memory_space<semaphore_mem>>)
    %dma_start3A = tpu.memref_slice %arg3[%mul3A_0] : memref<16384xi32, #tpu.memory_space<hbm>> -> memref<1024xi32, #tpu.memory_space<hbm>>
    %dma_start3A_1 = tpu.memref_slice %arg3[%mul3A_0] : memref<16384xi32, #tpu.memory_space<hbm>> -> memref<1024xi32, #tpu.memory_space<hbm>>
    tpu.enqueue_dma source(%dma_start3A_1 : memref<1024xi32, #tpu.memory_space<hbm>>) target(%arg9 : memref<1024xi32, #tpu.memory_space<vmem>>) target_semaphore(%arg14 : memref<!tpu.dma_semaphore, #tpu.memory_space<semaphore_mem>>)
    %dma_start3A_2 = tpu.memref_slice %arg4[%mul3A_0] : memref<16384xi32, #tpu.memory_space<hbm>> -> memref<1024xi32, #tpu.memory_space<hbm>>
    %dma_start3A_3 = tpu.memref_slice %arg4[%mul3A_0] : memref<16384xi32, #tpu.memory_space<hbm>> -> memref<1024xi32, #tpu.memory_space<hbm>>
    tpu.enqueue_dma source(%dma_start3A_3 : memref<1024xi32, #tpu.memory_space<hbm>>) target(%arg10 : memref<1024xi32, #tpu.memory_space<vmem>>) target_semaphore(%arg14 : memref<!tpu.dma_semaphore, #tpu.memory_space<semaphore_mem>>)
    %broadcast_in_dim3A = arith.constant 0.000000e+00 : f32
    %broadcast_in_dim3A_4 = vector.broadcast %broadcast_in_dim3A : f32 to vector<16xf32>
    %scan3A = arith.constant 0 : i32
    %scan3A_5 = arith.constant 0 : i32
    %scan3A_6 = arith.constant 2048 : i32
    %scan3A_7 = arith.addi %scan3A_5, %scan3A_6 : i32
    %scan3A_8 = arith.constant 1 : i32
    scf.for %scan3A_264 = %scan3A_5 to %scan3A_7 step %scan3A_8  : i32 {
      %mul3A_265 = arith.constant 16 : i32
      %mul3A_266 = arith.muli %scan3A_264, %mul3A_265 : i32
      %swap3A = arith.index_cast %mul3A_266 : i32 to index
      %swap3A_267 = tpu.vector_load %arg13[%swap3A] {strides = array<i32>} : memref<32768xf32, #tpu.memory_space<vmem>>, vector<16xf32>,
      tpu.vector_store %arg13[%swap3A], %broadcast_in_dim3A_4 {strides = array<i32>} : memref<32768xf32, #tpu.memory_space<vmem>>, vector<16xf32>,
    }
    %scan3A_9 = arith.constant 2048 : i32
    %mul3A_10 = arith.constant 8388608 : i32
    %mul3A_11 = arith.muli %arg0, %mul3A_10 : i32
    %mul3A_12 = arith.constant 524288 : i32
    %mul3A_13 = arith.muli %arg1, %mul3A_12 : i32
    %add3A = arith.addi %mul3A_11, %mul3A_13 : i32
    %add3A_14 = arith.constant 0 : i32
    %add3A_15 = arith.addi %add3A, %add3A_14 : i32
    %dma_start3A_16 = tpu.memref_slice %arg6[%add3A_15] : memref<16777216xf32, #tpu.memory_space<hbm>> -> memref<32768xf32, #tpu.memory_space<hbm>>
    %dma_start3A_17 = tpu.memref_slice %arg6[%add3A_15] : memref<16777216xf32, #tpu.memory_space<hbm>> -> memref<32768xf32, #tpu.memory_space<hbm>>
    tpu.enqueue_dma source(%arg13 : memref<32768xf32, #tpu.memory_space<vmem>>) target(%dma_start3A_17 : memref<32768xf32, #tpu.memory_space<hbm>>) target_semaphore(%arg15 : memref<!tpu.dma_semaphore, #tpu.memory_space<semaphore_mem>>)
    %add3A_18 = arith.constant 32768 : i32
    %add3A_19 = arith.addi %add3A, %add3A_18 : i32
    %dma_start3A_20 = tpu.memref_slice %arg6[%add3A_19] : memref<16777216xf32, #tpu.memory_space<hbm>> -> memref<32768xf32, #tpu.memory_space<hbm>>
    %dma_start3A_21 = tpu.memref_slice %arg6[%add3A_19] : memref<16777216xf32, #tpu.memory_space<hbm>> -> memref<32768xf32, #tpu.memory_space<hbm>>
    tpu.enqueue_dma source(%arg13 : memref<32768xf32, #tpu.memory_space<vmem>>) target(%dma_start3A_21 : memref<32768xf32, #tpu.memory_space<hbm>>) target_semaphore(%arg15 : memref<!tpu.dma_semaphore, #tpu.memory_space<semaphore_mem>>)
    %add3A_22 = arith.constant 65536 : i32
    %add3A_23 = arith.addi %add3A, %add3A_22 : i32
    %dma_start3A_24 = tpu.memref_slice %arg6[%add3A_23] : memref<16777216xf32, #tpu.memory_space<hbm>> -> memref<32768xf32, #tpu.memory_space<hbm>>
    %dma_start3A_25 = tpu.memref_slice %arg6[%add3A_23] : memref<16777216xf32, #tpu.memory_space<hbm>> -> memref<32768xf32, #tpu.memory_space<hbm>>
    tpu.enqueue_dma source(%arg13 : memref<32768xf32, #tpu.memory_space<vmem>>) target(%dma_start3A_25 : memref<32768xf32, #tpu.memory_space<hbm>>) target_semaphore(%arg15 : memref<!tpu.dma_semaphore, #tpu.memory_space<semaphore_mem>>)
    %add3A_26 = arith.constant 98304 : i32
    %add3A_27 = arith.addi %add3A, %add3A_26 : i32
    %dma_start3A_28 = tpu.memref_slice %arg6[%add3A_27] : memref<16777216xf32, #tpu.memory_space<hbm>> -> memref<32768xf32, #tpu.memory_space<hbm>>
    %dma_start3A_29 = tpu.memref_slice %arg6[%add3A_27] : memref<16777216xf32, #tpu.memory_space<hbm>> -> memref<32768xf32, #tpu.memory_space<hbm>>
    tpu.enqueue_dma source(%arg13 : memref<32768xf32, #tpu.memory_space<vmem>>) target(%dma_start3A_29 : memref<32768xf32, #tpu.memory_space<hbm>>) target_semaphore(%arg15 : memref<!tpu.dma_semaphore, #tpu.memory_space<semaphore_mem>>)
    %add3A_30 = arith.constant 131072 : i32
    %add3A_31 = arith.addi %add3A, %add3A_30 : i32
    %dma_start3A_32 = tpu.memref_slice %arg6[%add3A_31] : memref<16777216xf32, #tpu.memory_space<hbm>> -> memref<32768xf32, #tpu.memory_space<hbm>>
    %dma_start3A_33 = tpu.memref_slice %arg6[%add3A_31] : memref<16777216xf32, #tpu.memory_space<hbm>> -> memref<32768xf32, #tpu.memory_space<hbm>>
    tpu.enqueue_dma source(%arg13 : memref<32768xf32, #tpu.memory_space<vmem>>) target(%dma_start3A_33 : memref<32768xf32, #tpu.memory_space<hbm>>) target_semaphore(%arg15 : memref<!tpu.dma_semaphore, #tpu.memory_space<semaphore_mem>>)
    %add3A_34 = arith.constant 163840 : i32
    %add3A_35 = arith.addi %add3A, %add3A_34 : i32
    %dma_start3A_36 = tpu.memref_slice %arg6[%add3A_35] : memref<16777216xf32, #tpu.memory_space<hbm>> -> memref<32768xf32, #tpu.memory_space<hbm>>
    %dma_start3A_37 = tpu.memref_slice %arg6[%add3A_35] : memref<16777216xf32, #tpu.memory_space<hbm>> -> memref<32768xf32, #tpu.memory_space<hbm>>
    tpu.enqueue_dma source(%arg13 : memref<32768xf32, #tpu.memory_space<vmem>>) target(%dma_start3A_37 : memref<32768xf32, #tpu.memory_space<hbm>>) target_semaphore(%arg15 : memref<!tpu.dma_semaphore, #tpu.memory_space<semaphore_mem>>)
    %add3A_38 = arith.constant 196608 : i32
    %add3A_39 = arith.addi %add3A, %add3A_38 : i32
    %dma_start3A_40 = tpu.memref_slice %arg6[%add3A_39] : memref<16777216xf32, #tpu.memory_space<hbm>> -> memref<32768xf32, #tpu.memory_space<hbm>>
    %dma_start3A_41 = tpu.memref_slice %arg6[%add3A_39] : memref<16777216xf32, #tpu.memory_space<hbm>> -> memref<32768xf32, #tpu.memory_space<hbm>>
    tpu.enqueue_dma source(%arg13 : memref<32768xf32, #tpu.memory_space<vmem>>) target(%dma_start3A_41 : memref<32768xf32, #tpu.memory_space<hbm>>) target_semaphore(%arg15 : memref<!tpu.dma_semaphore, #tpu.memory_space<semaphore_mem>>)
    %add3A_42 = arith.constant 229376 : i32
    %add3A_43 = arith.addi %add3A, %add3A_42 : i32
    %dma_start3A_44 = tpu.memref_slice %arg6[%add3A_43] : memref<16777216xf32, #tpu.memory_space<hbm>> -> memref<32768xf32, #tpu.memory_space<hbm>>
    %dma_start3A_45 = tpu.memref_slice %arg6[%add3A_43] : memref<16777216xf32, #tpu.memory_space<hbm>> -> memref<32768xf32, #tpu.memory_space<hbm>>
    tpu.enqueue_dma source(%arg13 : memref<32768xf32, #tpu.memory_space<vmem>>) target(%dma_start3A_45 : memref<32768xf32, #tpu.memory_space<hbm>>) target_semaphore(%arg15 : memref<!tpu.dma_semaphore, #tpu.memory_space<semaphore_mem>>)
    %add3A_46 = arith.constant 262144 : i32
    %add3A_47 = arith.addi %add3A, %add3A_46 : i32
    %dma_start3A_48 = tpu.memref_slice %arg6[%add3A_47] : memref<16777216xf32, #tpu.memory_space<hbm>> -> memref<32768xf32, #tpu.memory_space<hbm>>
    %dma_start3A_49 = tpu.memref_slice %arg6[%add3A_47] : memref<16777216xf32, #tpu.memory_space<hbm>> -> memref<32768xf32, #tpu.memory_space<hbm>>
    tpu.enqueue_dma source(%arg13 : memref<32768xf32, #tpu.memory_space<vmem>>) target(%dma_start3A_49 : memref<32768xf32, #tpu.memory_space<hbm>>) target_semaphore(%arg15 : memref<!tpu.dma_semaphore, #tpu.memory_space<semaphore_mem>>)
    %add3A_50 = arith.constant 294912 : i32
    %add3A_51 = arith.addi %add3A, %add3A_50 : i32
    %dma_start3A_52 = tpu.memref_slice %arg6[%add3A_51] : memref<16777216xf32, #tpu.memory_space<hbm>> -> memref<32768xf32, #tpu.memory_space<hbm>>
    %dma_start3A_53 = tpu.memref_slice %arg6[%add3A_51] : memref<16777216xf32, #tpu.memory_space<hbm>> -> memref<32768xf32, #tpu.memory_space<hbm>>
    tpu.enqueue_dma source(%arg13 : memref<32768xf32, #tpu.memory_space<vmem>>) target(%dma_start3A_53 : memref<32768xf32, #tpu.memory_space<hbm>>) target_semaphore(%arg15 : memref<!tpu.dma_semaphore, #tpu.memory_space<semaphore_mem>>)
    %add3A_54 = arith.constant 327680 : i32
    %add3A_55 = arith.addi %add3A, %add3A_54 : i32
    %dma_start3A_56 = tpu.memref_slice %arg6[%add3A_55] : memref<16777216xf32, #tpu.memory_space<hbm>> -> memref<32768xf32, #tpu.memory_space<hbm>>
    %dma_start3A_57 = tpu.memref_slice %arg6[%add3A_55] : memref<16777216xf32, #tpu.memory_space<hbm>> -> memref<32768xf32, #tpu.memory_space<hbm>>
    tpu.enqueue_dma source(%arg13 : memref<32768xf32, #tpu.memory_space<vmem>>) target(%dma_start3A_57 : memref<32768xf32, #tpu.memory_space<hbm>>) target_semaphore(%arg15 : memref<!tpu.dma_semaphore, #tpu.memory_space<semaphore_mem>>)
    %add3A_58 = arith.constant 360448 : i32
    %add3A_59 = arith.addi %add3A, %add3A_58 : i32
    %dma_start3A_60 = tpu.memref_slice %arg6[%add3A_59] : memref<16777216xf32, #tpu.memory_space<hbm>> -> memref<32768xf32, #tpu.memory_space<hbm>>
    %dma_start3A_61 = tpu.memref_slice %arg6[%add3A_59] : memref<16777216xf32, #tpu.memory_space<hbm>> -> memref<32768xf32, #tpu.memory_space<hbm>>
    tpu.enqueue_dma source(%arg13 : memref<32768xf32, #tpu.memory_space<vmem>>) target(%dma_start3A_61 : memref<32768xf32, #tpu.memory_space<hbm>>) target_semaphore(%arg15 : memref<!tpu.dma_semaphore, #tpu.memory_space<semaphore_mem>>)
    %add3A_62 = arith.constant 393216 : i32
    %add3A_63 = arith.addi %add3A, %add3A_62 : i32
    %dma_start3A_64 = tpu.memref_slice %arg6[%add3A_63] : memref<16777216xf32, #tpu.memory_space<hbm>> -> memref<32768xf32, #tpu.memory_space<hbm>>
    %dma_start3A_65 = tpu.memref_slice %arg6[%add3A_63] : memref<16777216xf32, #tpu.memory_space<hbm>> -> memref<32768xf32, #tpu.memory_space<hbm>>
    tpu.enqueue_dma source(%arg13 : memref<32768xf32, #tpu.memory_space<vmem>>) target(%dma_start3A_65 : memref<32768xf32, #tpu.memory_space<hbm>>) target_semaphore(%arg15 : memref<!tpu.dma_semaphore, #tpu.memory_space<semaphore_mem>>)
    %add3A_66 = arith.constant 425984 : i32
    %add3A_67 = arith.addi %add3A, %add3A_66 : i32
    %dma_start3A_68 = tpu.memref_slice %arg6[%add3A_67] : memref<16777216xf32, #tpu.memory_space<hbm>> -> memref<32768xf32, #tpu.memory_space<hbm>>
    %dma_start3A_69 = tpu.memref_slice %arg6[%add3A_67] : memref<16777216xf32, #tpu.memory_space<hbm>> -> memref<32768xf32, #tpu.memory_space<hbm>>
    tpu.enqueue_dma source(%arg13 : memref<32768xf32, #tpu.memory_space<vmem>>) target(%dma_start3A_69 : memref<32768xf32, #tpu.memory_space<hbm>>) target_semaphore(%arg15 : memref<!tpu.dma_semaphore, #tpu.memory_space<semaphore_mem>>)
    %add3A_70 = arith.constant 458752 : i32
    %add3A_71 = arith.addi %add3A, %add3A_70 : i32
    %dma_start3A_72 = tpu.memref_slice %arg6[%add3A_71] : memref<16777216xf32, #tpu.memory_space<hbm>> -> memref<32768xf32, #tpu.memory_space<hbm>>
    %dma_start3A_73 = tpu.memref_slice %arg6[%add3A_71] : memref<16777216xf32, #tpu.memory_space<hbm>> -> memref<32768xf32, #tpu.memory_space<hbm>>
    tpu.enqueue_dma source(%arg13 : memref<32768xf32, #tpu.memory_space<vmem>>) target(%dma_start3A_73 : memref<32768xf32, #tpu.memory_space<hbm>>) target_semaphore(%arg15 : memref<!tpu.dma_semaphore, #tpu.memory_space<semaphore_mem>>)
    %add3A_74 = arith.constant 491520 : i32
    %add3A_75 = arith.addi %add3A, %add3A_74 : i32
    %dma_start3A_76 = tpu.memref_slice %arg6[%add3A_75] : memref<16777216xf32, #tpu.memory_space<hbm>> -> memref<32768xf32, #tpu.memory_space<hbm>>
    %dma_start3A_77 = tpu.memref_slice %arg6[%add3A_75] : memref<16777216xf32, #tpu.memory_space<hbm>> -> memref<32768xf32, #tpu.memory_space<hbm>>
    tpu.enqueue_dma source(%arg13 : memref<32768xf32, #tpu.memory_space<vmem>>) target(%dma_start3A_77 : memref<32768xf32, #tpu.memory_space<hbm>>) target_semaphore(%arg15 : memref<!tpu.dma_semaphore, #tpu.memory_space<semaphore_mem>>)
    tpu.wait_dma2 semaphore(%arg14 : memref<!tpu.dma_semaphore, #tpu.memory_space<semaphore_mem>>) src(%arg2 : memref<1024x4xf32, #tpu.memory_space<hbm>>) dst(%arg7 : memref<1024x4xf32, #tpu.memory_space<vmem>>)
    tpu.wait_dma2 semaphore(%arg14 : memref<!tpu.dma_semaphore, #tpu.memory_space<semaphore_mem>>) src(%arg5 : memref<64xf32, #tpu.memory_space<hbm>>) dst(%arg8 : memref<64xf32, #tpu.memory_space<vmem>>)
    %dma_wait3A = tpu.memref_slice %arg3[%mul3A_0] : memref<16384xi32, #tpu.memory_space<hbm>> -> memref<1024xi32, #tpu.memory_space<hbm>>
    %dma_wait3A_78 = tpu.memref_slice %arg3[%mul3A_0] : memref<16384xi32, #tpu.memory_space<hbm>> -> memref<1024xi32, #tpu.memory_space<hbm>>
    tpu.wait_dma2 semaphore(%arg14 : memref<!tpu.dma_semaphore, #tpu.memory_space<semaphore_mem>>) src(%dma_wait3A_78 : memref<1024xi32, #tpu.memory_space<hbm>>) dst(%arg9 : memref<1024xi32, #tpu.memory_space<vmem>>)
    %dma_wait3A_79 = tpu.memref_slice %arg4[%mul3A_0] : memref<16384xi32, #tpu.memory_space<hbm>> -> memref<1024xi32, #tpu.memory_space<hbm>>
    %dma_wait3A_80 = tpu.memref_slice %arg4[%mul3A_0] : memref<16384xi32, #tpu.memory_space<hbm>> -> memref<1024xi32, #tpu.memory_space<hbm>>
    tpu.wait_dma2 semaphore(%arg14 : memref<!tpu.dma_semaphore, #tpu.memory_space<semaphore_mem>>) src(%dma_wait3A_80 : memref<1024xi32, #tpu.memory_space<hbm>>) dst(%arg10 : memref<1024xi32, #tpu.memory_space<vmem>>)
    %get3A = arith.constant 0 : index
    %get3A_81 = tpu.vector_load %arg8[%get3A] {strides = array<i32>} : memref<64xf32, #tpu.memory_space<vmem>>, vector<16xf32>,
    %get3A_82 = arith.constant 16 : index
    %get3A_83 = tpu.vector_load %arg8[%get3A_82] {strides = array<i32>} : memref<64xf32, #tpu.memory_space<vmem>>, vector<16xf32>,
    %get3A_84 = arith.constant 32 : index
    %get3A_85 = tpu.vector_load %arg8[%get3A_84] {strides = array<i32>} : memref<64xf32, #tpu.memory_space<vmem>>, vector<16xf32>,
    %get3A_86 = arith.constant 48 : index
    %get3A_87 = tpu.vector_load %arg8[%get3A_86] {strides = array<i32>} : memref<64xf32, #tpu.memory_space<vmem>>, vector<16xf32>,
    %slice3A = vector.extract_strided_slice %get3A_81 {offsets = [0], sizes = [1], strides = [1]} : vector<16xf32> to vector<1xf32>
    %squeeze3A = vector.extract %slice3A[0] : f32 from vector<1xf32>
    %slice3A_88 = vector.extract_strided_slice %get3A_81 {offsets = [1], sizes = [1], strides = [1]} : vector<16xf32> to vector<1xf32>
    %squeeze3A_89 = vector.extract %slice3A_88[0] : f32 from vector<1xf32>
    %slice3A_90 = vector.extract_strided_slice %get3A_81 {offsets = [2], sizes = [1], strides = [1]} : vector<16xf32> to vector<1xf32>
    %squeeze3A_91 = vector.extract %slice3A_90[0] : f32 from vector<1xf32>
    %slice3A_92 = vector.extract_strided_slice %get3A_81 {offsets = [3], sizes = [1], strides = [1]} : vector<16xf32> to vector<1xf32>
    %squeeze3A_93 = vector.extract %slice3A_92[0] : f32 from vector<1xf32>
    %slice3A_94 = vector.extract_strided_slice %get3A_81 {offsets = [4], sizes = [1], strides = [1]} : vector<16xf32> to vector<1xf32>
    %squeeze3A_95 = vector.extract %slice3A_94[0] : f32 from vector<1xf32>
    %slice3A_96 = vector.extract_strided_slice %get3A_81 {offsets = [5], sizes = [1], strides = [1]} : vector<16xf32> to vector<1xf32>
    %squeeze3A_97 = vector.extract %slice3A_96[0] : f32 from vector<1xf32>
    %slice3A_98 = vector.extract_strided_slice %get3A_81 {offsets = [6], sizes = [1], strides = [1]} : vector<16xf32> to vector<1xf32>
    %squeeze3A_99 = vector.extract %slice3A_98[0] : f32 from vector<1xf32>
    %slice3A_100 = vector.extract_strided_slice %get3A_81 {offsets = [7], sizes = [1], strides = [1]} : vector<16xf32> to vector<1xf32>
    %squeeze3A_101 = vector.extract %slice3A_100[0] : f32 from vector<1xf32>
    %slice3A_102 = vector.extract_strided_slice %get3A_81 {offsets = [8], sizes = [1], strides = [1]} : vector<16xf32> to vector<1xf32>
    %squeeze3A_103 = vector.extract %slice3A_102[0] : f32 from vector<1xf32>
    %slice3A_104 = vector.extract_strided_slice %get3A_81 {offsets = [9], sizes = [1], strides = [1]} : vector<16xf32> to vector<1xf32>
    %squeeze3A_105 = vector.extract %slice3A_104[0] : f32 from vector<1xf32>
    %slice3A_106 = vector.extract_strided_slice %get3A_81 {offsets = [10], sizes = [1], strides = [1]} : vector<16xf32> to vector<1xf32>
    %squeeze3A_107 = vector.extract %slice3A_106[0] : f32 from vector<1xf32>
    %slice3A_108 = vector.extract_strided_slice %get3A_81 {offsets = [11], sizes = [1], strides = [1]} : vector<16xf32> to vector<1xf32>
    %squeeze3A_109 = vector.extract %slice3A_108[0] : f32 from vector<1xf32>
    %slice3A_110 = vector.extract_strided_slice %get3A_81 {offsets = [12], sizes = [1], strides = [1]} : vector<16xf32> to vector<1xf32>
    %squeeze3A_111 = vector.extract %slice3A_110[0] : f32 from vector<1xf32>
    %slice3A_112 = vector.extract_strided_slice %get3A_81 {offsets = [13], sizes = [1], strides = [1]} : vector<16xf32> to vector<1xf32>
    %squeeze3A_113 = vector.extract %slice3A_112[0] : f32 from vector<1xf32>
    %slice3A_114 = vector.extract_strided_slice %get3A_81 {offsets = [14], sizes = [1], strides = [1]} : vector<16xf32> to vector<1xf32>
    %squeeze3A_115 = vector.extract %slice3A_114[0] : f32 from vector<1xf32>
    %slice3A_116 = vector.extract_strided_slice %get3A_81 {offsets = [15], sizes = [1], strides = [1]} : vector<16xf32> to vector<1xf32>
    %squeeze3A_117 = vector.extract %slice3A_116[0] : f32 from vector<1xf32>
    %slice3A_118 = vector.extract_strided_slice %get3A_83 {offsets = [0], sizes = [1], strides = [1]} : vector<16xf32> to vector<1xf32>
    %squeeze3A_119 = vector.extract %slice3A_118[0] : f32 from vector<1xf32>
    %slice3A_120 = vector.extract_strided_slice %get3A_83 {offsets = [1], sizes = [1], strides = [1]} : vector<16xf32> to vector<1xf32>
    %squeeze3A_121 = vector.extract %slice3A_120[0] : f32 from vector<1xf32>
    %slice3A_122 = vector.extract_strided_slice %get3A_83 {offsets = [2], sizes = [1], strides = [1]} : vector<16xf32> to vector<1xf32>
    %squeeze3A_123 = vector.extract %slice3A_122[0] : f32 from vector<1xf32>
    %slice3A_124 = vector.extract_strided_slice %get3A_83 {offsets = [3], sizes = [1], strides = [1]} : vector<16xf32> to vector<1xf32>
    %squeeze3A_125 = vector.extract %slice3A_124[0] : f32 from vector<1xf32>
    %slice3A_126 = vector.extract_strided_slice %get3A_83 {offsets = [4], sizes = [1], strides = [1]} : vector<16xf32> to vector<1xf32>
    %squeeze3A_127 = vector.extract %slice3A_126[0] : f32 from vector<1xf32>
    %slice3A_128 = vector.extract_strided_slice %get3A_83 {offsets = [5], sizes = [1], strides = [1]} : vector<16xf32> to vector<1xf32>
    %squeeze3A_129 = vector.extract %slice3A_128[0] : f32 from vector<1xf32>
    %slice3A_130 = vector.extract_strided_slice %get3A_83 {offsets = [6], sizes = [1], strides = [1]} : vector<16xf32> to vector<1xf32>
    %squeeze3A_131 = vector.extract %slice3A_130[0] : f32 from vector<1xf32>
    %slice3A_132 = vector.extract_strided_slice %get3A_83 {offsets = [7], sizes = [1], strides = [1]} : vector<16xf32> to vector<1xf32>
    %squeeze3A_133 = vector.extract %slice3A_132[0] : f32 from vector<1xf32>
    %slice3A_134 = vector.extract_strided_slice %get3A_83 {offsets = [8], sizes = [1], strides = [1]} : vector<16xf32> to vector<1xf32>
    %squeeze3A_135 = vector.extract %slice3A_134[0] : f32 from vector<1xf32>
    %slice3A_136 = vector.extract_strided_slice %get3A_83 {offsets = [9], sizes = [1], strides = [1]} : vector<16xf32> to vector<1xf32>
    %squeeze3A_137 = vector.extract %slice3A_136[0] : f32 from vector<1xf32>
    %slice3A_138 = vector.extract_strided_slice %get3A_83 {offsets = [10], sizes = [1], strides = [1]} : vector<16xf32> to vector<1xf32>
    %squeeze3A_139 = vector.extract %slice3A_138[0] : f32 from vector<1xf32>
    %slice3A_140 = vector.extract_strided_slice %get3A_83 {offsets = [11], sizes = [1], strides = [1]} : vector<16xf32> to vector<1xf32>
    %squeeze3A_141 = vector.extract %slice3A_140[0] : f32 from vector<1xf32>
    %slice3A_142 = vector.extract_strided_slice %get3A_83 {offsets = [12], sizes = [1], strides = [1]} : vector<16xf32> to vector<1xf32>
    %squeeze3A_143 = vector.extract %slice3A_142[0] : f32 from vector<1xf32>
    %slice3A_144 = vector.extract_strided_slice %get3A_83 {offsets = [13], sizes = [1], strides = [1]} : vector<16xf32> to vector<1xf32>
    %squeeze3A_145 = vector.extract %slice3A_144[0] : f32 from vector<1xf32>
    %slice3A_146 = vector.extract_strided_slice %get3A_83 {offsets = [14], sizes = [1], strides = [1]} : vector<16xf32> to vector<1xf32>
    %squeeze3A_147 = vector.extract %slice3A_146[0] : f32 from vector<1xf32>
    %slice3A_148 = vector.extract_strided_slice %get3A_83 {offsets = [15], sizes = [1], strides = [1]} : vector<16xf32> to vector<1xf32>
    %squeeze3A_149 = vector.extract %slice3A_148[0] : f32 from vector<1xf32>
    %slice3A_150 = vector.extract_strided_slice %get3A_85 {offsets = [0], sizes = [1], strides = [1]} : vector<16xf32> to vector<1xf32>
    %squeeze3A_151 = vector.extract %slice3A_150[0] : f32 from vector<1xf32>
    %slice3A_152 = vector.extract_strided_slice %get3A_85 {offsets = [1], sizes = [1], strides = [1]} : vector<16xf32> to vector<1xf32>
    %squeeze3A_153 = vector.extract %slice3A_152[0] : f32 from vector<1xf32>
    %slice3A_154 = vector.extract_strided_slice %get3A_85 {offsets = [2], sizes = [1], strides = [1]} : vector<16xf32> to vector<1xf32>
    %squeeze3A_155 = vector.extract %slice3A_154[0] : f32 from vector<1xf32>
    %slice3A_156 = vector.extract_strided_slice %get3A_85 {offsets = [3], sizes = [1], strides = [1]} : vector<16xf32> to vector<1xf32>
    %squeeze3A_157 = vector.extract %slice3A_156[0] : f32 from vector<1xf32>
    %slice3A_158 = vector.extract_strided_slice %get3A_85 {offsets = [4], sizes = [1], strides = [1]} : vector<16xf32> to vector<1xf32>
    %squeeze3A_159 = vector.extract %slice3A_158[0] : f32 from vector<1xf32>
    %slice3A_160 = vector.extract_strided_slice %get3A_85 {offsets = [5], sizes = [1], strides = [1]} : vector<16xf32> to vector<1xf32>
    %squeeze3A_161 = vector.extract %slice3A_160[0] : f32 from vector<1xf32>
    %slice3A_162 = vector.extract_strided_slice %get3A_85 {offsets = [6], sizes = [1], strides = [1]} : vector<16xf32> to vector<1xf32>
    %squeeze3A_163 = vector.extract %slice3A_162[0] : f32 from vector<1xf32>
    %slice3A_164 = vector.extract_strided_slice %get3A_85 {offsets = [7], sizes = [1], strides = [1]} : vector<16xf32> to vector<1xf32>
    %squeeze3A_165 = vector.extract %slice3A_164[0] : f32 from vector<1xf32>
    %slice3A_166 = vector.extract_strided_slice %get3A_85 {offsets = [8], sizes = [1], strides = [1]} : vector<16xf32> to vector<1xf32>
    %squeeze3A_167 = vector.extract %slice3A_166[0] : f32 from vector<1xf32>
    %slice3A_168 = vector.extract_strided_slice %get3A_85 {offsets = [9], sizes = [1], strides = [1]} : vector<16xf32> to vector<1xf32>
    %squeeze3A_169 = vector.extract %slice3A_168[0] : f32 from vector<1xf32>
    %slice3A_170 = vector.extract_strided_slice %get3A_85 {offsets = [10], sizes = [1], strides = [1]} : vector<16xf32> to vector<1xf32>
    %squeeze3A_171 = vector.extract %slice3A_170[0] : f32 from vector<1xf32>
    %slice3A_172 = vector.extract_strided_slice %get3A_85 {offsets = [11], sizes = [1], strides = [1]} : vector<16xf32> to vector<1xf32>
    %squeeze3A_173 = vector.extract %slice3A_172[0] : f32 from vector<1xf32>
    %slice3A_174 = vector.extract_strided_slice %get3A_85 {offsets = [12], sizes = [1], strides = [1]} : vector<16xf32> to vector<1xf32>
    %squeeze3A_175 = vector.extract %slice3A_174[0] : f32 from vector<1xf32>
    %slice3A_176 = vector.extract_strided_slice %get3A_85 {offsets = [13], sizes = [1], strides = [1]} : vector<16xf32> to vector<1xf32>
    %squeeze3A_177 = vector.extract %slice3A_176[0] : f32 from vector<1xf32>
    %slice3A_178 = vector.extract_strided_slice %get3A_85 {offsets = [14], sizes = [1], strides = [1]} : vector<16xf32> to vector<1xf32>
    %squeeze3A_179 = vector.extract %slice3A_178[0] : f32 from vector<1xf32>
    %slice3A_180 = vector.extract_strided_slice %get3A_85 {offsets = [15], sizes = [1], strides = [1]} : vector<16xf32> to vector<1xf32>
    %squeeze3A_181 = vector.extract %slice3A_180[0] : f32 from vector<1xf32>
    %slice3A_182 = vector.extract_strided_slice %get3A_87 {offsets = [0], sizes = [1], strides = [1]} : vector<16xf32> to vector<1xf32>
    %squeeze3A_183 = vector.extract %slice3A_182[0] : f32 from vector<1xf32>
    %slice3A_184 = vector.extract_strided_slice %get3A_87 {offsets = [1], sizes = [1], strides = [1]} : vector<16xf32> to vector<1xf32>
    %squeeze3A_185 = vector.extract %slice3A_184[0] : f32 from vector<1xf32>
    %slice3A_186 = vector.extract_strided_slice %get3A_87 {offsets = [2], sizes = [1], strides = [1]} : vector<16xf32> to vector<1xf32>
    %squeeze3A_187 = vector.extract %slice3A_186[0] : f32 from vector<1xf32>
    %slice3A_188 = vector.extract_strided_slice %get3A_87 {offsets = [3], sizes = [1], strides = [1]} : vector<16xf32> to vector<1xf32>
    %squeeze3A_189 = vector.extract %slice3A_188[0] : f32 from vector<1xf32>
    %slice3A_190 = vector.extract_strided_slice %get3A_87 {offsets = [4], sizes = [1], strides = [1]} : vector<16xf32> to vector<1xf32>
    %squeeze3A_191 = vector.extract %slice3A_190[0] : f32 from vector<1xf32>
    %slice3A_192 = vector.extract_strided_slice %get3A_87 {offsets = [5], sizes = [1], strides = [1]} : vector<16xf32> to vector<1xf32>
    %squeeze3A_193 = vector.extract %slice3A_192[0] : f32 from vector<1xf32>
    %slice3A_194 = vector.extract_strided_slice %get3A_87 {offsets = [6], sizes = [1], strides = [1]} : vector<16xf32> to vector<1xf32>
    %squeeze3A_195 = vector.extract %slice3A_194[0] : f32 from vector<1xf32>
    %slice3A_196 = vector.extract_strided_slice %get3A_87 {offsets = [7], sizes = [1], strides = [1]} : vector<16xf32> to vector<1xf32>
    %squeeze3A_197 = vector.extract %slice3A_196[0] : f32 from vector<1xf32>
    %slice3A_198 = vector.extract_strided_slice %get3A_87 {offsets = [8], sizes = [1], strides = [1]} : vector<16xf32> to vector<1xf32>
    %squeeze3A_199 = vector.extract %slice3A_198[0] : f32 from vector<1xf32>
    %slice3A_200 = vector.extract_strided_slice %get3A_87 {offsets = [9], sizes = [1], strides = [1]} : vector<16xf32> to vector<1xf32>
    %squeeze3A_201 = vector.extract %slice3A_200[0] : f32 from vector<1xf32>
    %slice3A_202 = vector.extract_strided_slice %get3A_87 {offsets = [10], sizes = [1], strides = [1]} : vector<16xf32> to vector<1xf32>
    %squeeze3A_203 = vector.extract %slice3A_202[0] : f32 from vector<1xf32>
    %slice3A_204 = vector.extract_strided_slice %get3A_87 {offsets = [11], sizes = [1], strides = [1]} : vector<16xf32> to vector<1xf32>
    %squeeze3A_205 = vector.extract %slice3A_204[0] : f32 from vector<1xf32>
    %slice3A_206 = vector.extract_strided_slice %get3A_87 {offsets = [12], sizes = [1], strides = [1]} : vector<16xf32> to vector<1xf32>
    %squeeze3A_207 = vector.extract %slice3A_206[0] : f32 from vector<1xf32>
    %slice3A_208 = vector.extract_strided_slice %get3A_87 {offsets = [13], sizes = [1], strides = [1]} : vector<16xf32> to vector<1xf32>
    %squeeze3A_209 = vector.extract %slice3A_208[0] : f32 from vector<1xf32>
    %slice3A_210 = vector.extract_strided_slice %get3A_87 {offsets = [14], sizes = [1], strides = [1]} : vector<16xf32> to vector<1xf32>
    %squeeze3A_211 = vector.extract %slice3A_210[0] : f32 from vector<1xf32>
    %slice3A_212 = vector.extract_strided_slice %get3A_87 {offsets = [15], sizes = [1], strides = [1]} : vector<16xf32> to vector<1xf32>
    %squeeze3A_213 = vector.extract %slice3A_212[0] : f32 from vector<1xf32>
    %iota3A = tpu.iota {dimensions = array<i32: 0>} : vector<16xi32>
    %scan3A_214 = arith.constant 0 : i32
    %scan3A_215 = arith.constant 0 : i32
    %scan3A_216 = arith.constant 64 : i32
    %scan3A_217 = arith.addi %scan3A_215, %scan3A_216 : i32
    %scan3A_218 = arith.constant 1 : i32
    scf.for %scan3A_264 = %scan3A_215 to %scan3A_217 step %scan3A_218  : i32 {
      %mul3A_265 = arith.constant 16 : i32
      %mul3A_266 = arith.muli %scan3A_264, %mul3A_265 : i32
      %get3A_267 = arith.index_cast %mul3A_266 : i32 to index
      %get3A_268 = tpu.vector_load %arg9[%get3A_267] {strides = array<i32>} : memref<1024xi32, #tpu.memory_space<vmem>>, vector<16xi32>,
      %mul3A_269 = arith.constant 16 : i32
      %mul3A_270 = arith.muli %scan3A_264, %mul3A_269 : i32
      %get3A_271 = arith.index_cast %mul3A_270 : i32 to index
      %get3A_272 = tpu.vector_load %arg10[%get3A_271] {strides = array<i32>} : memref<1024xi32, #tpu.memory_space<vmem>>, vector<16xi32>,
      %mul3A_273 = arith.constant 16384 : i32
      %mul3A_274 = vector.broadcast %mul3A_273 : i32 to vector<16xi32>
      %mul3A_275 = arith.muli %get3A_268, %mul3A_274 : vector<16xi32>
      %shift_right_arithmetic3A = arith.constant 7 : i32
      %shift_right_arithmetic3A_276 = vector.broadcast %shift_right_arithmetic3A : i32 to vector<16xi32>
      %shift_right_arithmetic3A_277 = arith.shrsi %get3A_272, %shift_right_arithmetic3A_276 : vector<16xi32>
      %mul3A_278 = arith.constant 512 : i32
      %mul3A_279 = vector.broadcast %mul3A_278 : i32 to vector<16xi32>
      %mul3A_280 = arith.muli %shift_right_arithmetic3A_277, %mul3A_279 : vector<16xi32>
      %add3A_281 = arith.addi %mul3A_275, %mul3A_280 : vector<16xi32>
      %and3A = arith.constant 127 : i32
      %and3A_282 = vector.broadcast %and3A : i32 to vector<16xi32>
      %and3A_283 = arith.andi %get3A_272, %and3A_282 : vector<16xi32>
      %add3A_284 = arith.addi %add3A_281, %and3A_283 : vector<16xi32>
      %broadcast_in_dim3A_285 = arith.constant 0 : i32
      %broadcast_in_dim3A_286 = vector.broadcast %broadcast_in_dim3A_285 : i32 to vector<16xi32>
      %gather3A = tpu.vector_load_idx %arg7[%get3A_268, %broadcast_in_dim3A_286] : memref<1024x4xf32, #tpu.memory_space<vmem>>[vector<16xi32>, vector<16xi32>], vector<16xf32>,
      %gather3A_287 = tpu.vector_load_idx %arg7[%get3A_272, %broadcast_in_dim3A_286] : memref<1024x4xf32, #tpu.memory_space<vmem>>[vector<16xi32>, vector<16xi32>], vector<16xf32>,
      %sub3A = arith.subf %gather3A, %gather3A_287 : vector<16xf32>
      %abs3A = math.absf %sub3A : vector<16xf32>
      %broadcast_in_dim3A_288 = arith.constant 1 : i32
      %broadcast_in_dim3A_289 = vector.broadcast %broadcast_in_dim3A_288 : i32 to vector<16xi32>
      %gather3A_290 = tpu.vector_load_idx %arg7[%get3A_268, %broadcast_in_dim3A_289] : memref<1024x4xf32, #tpu.memory_space<vmem>>[vector<16xi32>, vector<16xi32>], vector<16xf32>,
      %gather3A_291 = tpu.vector_load_idx %arg7[%get3A_272, %broadcast_in_dim3A_289] : memref<1024x4xf32, #tpu.memory_space<vmem>>[vector<16xi32>, vector<16xi32>], vector<16xf32>,
      %sub3A_292 = arith.subf %gather3A_290, %gather3A_291 : vector<16xf32>
      %abs3A_293 = math.absf %sub3A_292 : vector<16xf32>
      %broadcast_in_dim3A_294 = arith.constant 2 : i32
      %broadcast_in_dim3A_295 = vector.broadcast %broadcast_in_dim3A_294 : i32 to vector<16xi32>
      %gather3A_296 = tpu.vector_load_idx %arg7[%get3A_268, %broadcast_in_dim3A_295] : memref<1024x4xf32, #tpu.memory_space<vmem>>[vector<16xi32>, vector<16xi32>], vector<16xf32>,
      %gather3A_297 = tpu.vector_load_idx %arg7[%get3A_272, %broadcast_in_dim3A_295] : memref<1024x4xf32, #tpu.memory_space<vmem>>[vector<16xi32>, vector<16xi32>], vector<16xf32>,
      %sub3A_298 = arith.subf %gather3A_296, %gather3A_297 : vector<16xf32>
      %abs3A_299 = math.absf %sub3A_298 : vector<16xf32>
      %broadcast_in_dim3A_300 = arith.constant 3 : i32
      %broadcast_in_dim3A_301 = vector.broadcast %broadcast_in_dim3A_300 : i32 to vector<16xi32>
      %gather3A_302 = tpu.vector_load_idx %arg7[%get3A_268, %broadcast_in_dim3A_301] : memref<1024x4xf32, #tpu.memory_space<vmem>>[vector<16xi32>, vector<16xi32>], vector<16xf32>,
      %gather3A_303 = tpu.vector_load_idx %arg7[%get3A_272, %broadcast_in_dim3A_301] : memref<1024x4xf32, #tpu.memory_space<vmem>>[vector<16xi32>, vector<16xi32>], vector<16xf32>,
      %sub3A_304 = arith.subf %gather3A_302, %gather3A_303 : vector<16xf32>
      %abs3A_305 = math.absf %sub3A_304 : vector<16xf32>
      %mul3A_306 = vector.broadcast %squeeze3A : f32 to vector<16xf32>
      %mul3A_307 = arith.mulf %abs3A, %mul3A_306 : vector<16xf32>
      %mul3A_308 = vector.broadcast %squeeze3A_89 : f32 to vector<16xf32>
      %mul3A_309 = arith.mulf %abs3A_293, %mul3A_308 : vector<16xf32>
      %add3A_310 = arith.addf %mul3A_307, %mul3A_309 : vector<16xf32>
      %mul3A_311 = vector.broadcast %squeeze3A_91 : f32 to vector<16xf32>
      %mul3A_312 = arith.mulf %abs3A_299, %mul3A_311 : vector<16xf32>
      %add3A_313 = arith.addf %add3A_310, %mul3A_312 : vector<16xf32>
      %mul3A_314 = vector.broadcast %squeeze3A_93 : f32 to vector<16xf32>
      %mul3A_315 = arith.mulf %abs3A_305, %mul3A_314 : vector<16xf32>
      %add3A_316 = arith.addf %add3A_313, %mul3A_315 : vector<16xf32>
      %jit3A = arith.constant 8 : i32
      %div3A = arith.divsi %scan3A_264, %jit3A : i32
      %sign3A = arith.constant 0 : i32
      %sign3A_317 = arith.cmpi sgt, %scan3A_264, %sign3A : i32
      %sign3A_318 = arith.extui %sign3A_317 : i1 to i32
      %sign3A_319 = arith.constant 0 : i32
      %sign3A_320 = arith.cmpi slt, %scan3A_264, %sign3A_319 : i32
      %sign3A_321 = arith.extui %sign3A_320 : i1 to i32
      %sign3A_322 = arith.subi %sign3A_318, %sign3A_321 : i32
      %sign3A_323 = arith.constant 0 : i32
      %sign3A_324 = arith.cmpi sgt, %jit3A, %sign3A_323 : i32
      %sign3A_325 = arith.extui %sign3A_324 : i1 to i32
      %sign3A_326 = arith.constant 0 : i32
      %sign3A_327 = arith.cmpi slt, %jit3A, %sign3A_326 : i32
      %sign3A_328 = arith.extui %sign3A_327 : i1 to i32
      %sign3A_329 = arith.subi %sign3A_325, %sign3A_328 : i32
      %ne3A = arith.cmpi ne, %sign3A_322, %sign3A_329 : i32
      %rem3A = arith.remsi %scan3A_264, %jit3A : i32
      %ne3A_330 = arith.constant 0 : i32
      %ne3A_331 = arith.cmpi ne, %rem3A, %ne3A_330 : i32
      %and3A_332 = arith.andi %ne3A, %ne3A_331 : i1
      %sub3A_333 = arith.constant 1 : i32
      %sub3A_334 = arith.subi %div3A, %sub3A_333 : i32
      %select_n3A = arith.select %and3A_332, %sub3A_334, %div3A : i32
      %add3A_335 = arith.constant 0 : i32
      %add3A_336 = arith.addi %add3A_335, %select_n3A : i32
      %jit3A_337 = arith.constant 8 : i32
      %eq3A = arith.constant 0 : i32
      %eq3A_338 = arith.cmpi eq, %jit3A_337, %eq3A : i32
      %jit3A_339 = arith.constant 1 : i32
      %select_n3A_340 = arith.select %eq3A_338, %jit3A_339, %jit3A_337 : i32
      %rem3A_341 = arith.remsi %scan3A_264, %select_n3A_340 : i32
      %ne3A_342 = arith.constant 0 : i32
      %ne3A_343 = arith.cmpi ne, %rem3A_341, %ne3A_342 : i32
      %lt3A = arith.constant 0 : i32
      %lt3A_344 = arith.cmpi slt, %rem3A_341, %lt3A : i32
      %lt3A_345 = arith.constant 0 : i32
      %lt3A_346 = arith.cmpi slt, %select_n3A_340, %lt3A_345 : i32
      %ne3A_347 = arith.xori %lt3A_344, %lt3A_346 : i1
      %and3A_348 = arith.andi %ne3A_347, %ne3A_343 : i1
      %add3A_349 = arith.addi %rem3A_341, %select_n3A_340 : i32
      %select_n3A_350 = arith.select %and3A_348, %add3A_349, %rem3A_341 : i32
      %mul3A_351 = arith.constant 16 : i32
      %mul3A_352 = arith.muli %select_n3A_350, %mul3A_351 : i32
      %swap3A = arith.index_cast %add3A_336 : i32 to index
      %swap3A_353 = arith.index_cast %mul3A_352 : i32 to index
      %swap3A_354 = tpu.vector_load %arg12[%swap3A, %swap3A_353] {strides = array<i32>} : memref<128x128xf32, #tpu.memory_space<vmem>>, vector<16xf32>,
      tpu.vector_store %arg12[%swap3A, %swap3A_353], %add3A_316 {strides = array<i32>} : memref<128x128xf32, #tpu.memory_space<vmem>>, vector<16xf32>,
      %add3A_355 = arith.constant 0 : i32
      %add3A_356 = vector.broadcast %add3A_355 : i32 to vector<16xi32>
      %add3A_357 = arith.addi %add3A_284, %add3A_356 : vector<16xi32>
      %swap3A_358 = arith.index_cast %add3A_336 : i32 to index
      %swap3A_359 = arith.index_cast %mul3A_352 : i32 to index
      %swap3A_360 = tpu.vector_load %arg11[%swap3A_358, %swap3A_359] {strides = array<i32>} : memref<128x128xi32, #tpu.memory_space<vmem>>, vector<16xi32>,
      tpu.vector_store %arg11[%swap3A_358, %swap3A_359], %add3A_357 {strides = array<i32>} : memref<128x128xi32, #tpu.memory_space<vmem>>, vector<16xi32>,
      %mul3A_361 = vector.broadcast %squeeze3A_95 : f32 to vector<16xf32>
      %mul3A_362 = arith.mulf %abs3A, %mul3A_361 : vector<16xf32>
      %mul3A_363 = vector.broadcast %squeeze3A_97 : f32 to vector<16xf32>
      %mul3A_364 = arith.mulf %abs3A_293, %mul3A_363 : vector<16xf32>
      %add3A_365 = arith.addf %mul3A_362, %mul3A_364 : vector<16xf32>
      %mul3A_366 = vector.broadcast %squeeze3A_99 : f32 to vector<16xf32>
      %mul3A_367 = arith.mulf %abs3A_299, %mul3A_366 : vector<16xf32>
      %add3A_368 = arith.addf %add3A_365, %mul3A_367 : vector<16xf32>
      %mul3A_369 = vector.broadcast %squeeze3A_101 : f32 to vector<16xf32>
      %mul3A_370 = arith.mulf %abs3A_305, %mul3A_369 : vector<16xf32>
      %add3A_371 = arith.addf %add3A_368, %mul3A_370 : vector<16xf32>
      %jit3A_372 = arith.constant 8 : i32
      %div3A_373 = arith.divsi %scan3A_264, %jit3A_372 : i32
      %sign3A_374 = arith.constant 0 : i32
      %sign3A_375 = arith.cmpi sgt, %scan3A_264, %sign3A_374 : i32
      %sign3A_376 = arith.extui %sign3A_375 : i1 to i32
      %sign3A_377 = arith.constant 0 : i32
      %sign3A_378 = arith.cmpi slt, %scan3A_264, %sign3A_377 : i32
      %sign3A_379 = arith.extui %sign3A_378 : i1 to i32
      %sign3A_380 = arith.subi %sign3A_376, %sign3A_379 : i32
      %sign3A_381 = arith.constant 0 : i32
      %sign3A_382 = arith.cmpi sgt, %jit3A_372, %sign3A_381 : i32
      %sign3A_383 = arith.extui %sign3A_382 : i1 to i32
      %sign3A_384 = arith.constant 0 : i32
      %sign3A_385 = arith.cmpi slt, %jit3A_372, %sign3A_384 : i32
      %sign3A_386 = arith.extui %sign3A_385 : i1 to i32
      %sign3A_387 = arith.subi %sign3A_383, %sign3A_386 : i32
      %ne3A_388 = arith.cmpi ne, %sign3A_380, %sign3A_387 : i32
      %rem3A_389 = arith.remsi %scan3A_264, %jit3A_372 : i32
      %ne3A_390 = arith.constant 0 : i32
      %ne3A_391 = arith.cmpi ne, %rem3A_389, %ne3A_390 : i32
      %and3A_392 = arith.andi %ne3A_388, %ne3A_391 : i1
      %sub3A_393 = arith.constant 1 : i32
      %sub3A_394 = arith.subi %div3A_373, %sub3A_393 : i32
      %select_n3A_395 = arith.select %and3A_392, %sub3A_394, %div3A_373 : i32
      %add3A_396 = arith.constant 8 : i32
      %add3A_397 = arith.addi %add3A_396, %select_n3A_395 : i32
      %jit3A_398 = arith.constant 8 : i32
      %eq3A_399 = arith.constant 0 : i32
      %eq3A_400 = arith.cmpi eq, %jit3A_398, %eq3A_399 : i32
      %jit3A_401 = arith.constant 1 : i32
      %select_n3A_402 = arith.select %eq3A_400, %jit3A_401, %jit3A_398 : i32
      %rem3A_403 = arith.remsi %scan3A_264, %select_n3A_402 : i32
      %ne3A_404 = arith.constant 0 : i32
      %ne3A_405 = arith.cmpi ne, %rem3A_403, %ne3A_404 : i32
      %lt3A_406 = arith.constant 0 : i32
      %lt3A_407 = arith.cmpi slt, %rem3A_403, %lt3A_406 : i32
      %lt3A_408 = arith.constant 0 : i32
      %lt3A_409 = arith.cmpi slt, %select_n3A_402, %lt3A_408 : i32
      %ne3A_410 = arith.xori %lt3A_407, %lt3A_409 : i1
      %and3A_411 = arith.andi %ne3A_410, %ne3A_405 : i1
      %add3A_412 = arith.addi %rem3A_403, %select_n3A_402 : i32
      %select_n3A_413 = arith.select %and3A_411, %add3A_412, %rem3A_403 : i32
      %mul3A_414 = arith.constant 16 : i32
      %mul3A_415 = arith.muli %select_n3A_413, %mul3A_414 : i32
      %swap3A_416 = arith.index_cast %add3A_397 : i32 to index
      %swap3A_417 = arith.index_cast %mul3A_415 : i32 to index
      %swap3A_418 = tpu.vector_load %arg12[%swap3A_416, %swap3A_417] {strides = array<i32>} : memref<128x128xf32, #tpu.memory_space<vmem>>, vector<16xf32>,
      tpu.vector_store %arg12[%swap3A_416, %swap3A_417], %add3A_371 {strides = array<i32>} : memref<128x128xf32, #tpu.memory_space<vmem>>, vector<16xf32>,
      %add3A_419 = arith.constant 128 : i32
      %add3A_420 = vector.broadcast %add3A_419 : i32 to vector<16xi32>
      %add3A_421 = arith.addi %add3A_284, %add3A_420 : vector<16xi32>
      %swap3A_422 = arith.index_cast %add3A_397 : i32 to index
      %swap3A_423 = arith.index_cast %mul3A_415 : i32 to index
      %swap3A_424 = tpu.vector_load %arg11[%swap3A_422, %swap3A_423] {strides = array<i32>} : memref<128x128xi32, #tpu.memory_space<vmem>>, vector<16xi32>,
      tpu.vector_store %arg11[%swap3A_422, %swap3A_423], %add3A_421 {strides = array<i32>} : memref<128x128xi32, #tpu.memory_space<vmem>>, vector<16xi32>,
      %mul3A_425 = vector.broadcast %squeeze3A_103 : f32 to vector<16xf32>
      %mul3A_426 = arith.mulf %abs3A, %mul3A_425 : vector<16xf32>
      %mul3A_427 = vector.broadcast %squeeze3A_105 : f32 to vector<16xf32>
      %mul3A_428 = arith.mulf %abs3A_293, %mul3A_427 : vector<16xf32>
      %add3A_429 = arith.addf %mul3A_426, %mul3A_428 : vector<16xf32>
      %mul3A_430 = vector.broadcast %squeeze3A_107 : f32 to vector<16xf32>
      %mul3A_431 = arith.mulf %abs3A_299, %mul3A_430 : vector<16xf32>
      %add3A_432 = arith.addf %add3A_429, %mul3A_431 : vector<16xf32>
      %mul3A_433 = vector.broadcast %squeeze3A_109 : f32 to vector<16xf32>
      %mul3A_434 = arith.mulf %abs3A_305, %mul3A_433 : vector<16xf32>
      %add3A_435 = arith.addf %add3A_432, %mul3A_434 : vector<16xf32>
      %jit3A_436 = arith.constant 8 : i32
      %div3A_437 = arith.divsi %scan3A_264, %jit3A_436 : i32
      %sign3A_438 = arith.constant 0 : i32
      %sign3A_439 = arith.cmpi sgt, %scan3A_264, %sign3A_438 : i32
      %sign3A_440 = arith.extui %sign3A_439 : i1 to i32
      %sign3A_441 = arith.constant 0 : i32
      %sign3A_442 = arith.cmpi slt, %scan3A_264, %sign3A_441 : i32
      %sign3A_443 = arith.extui %sign3A_442 : i1 to i32
      %sign3A_444 = arith.subi %sign3A_440, %sign3A_443 : i32
      %sign3A_445 = arith.constant 0 : i32
      %sign3A_446 = arith.cmpi sgt, %jit3A_436, %sign3A_445 : i32
      %sign3A_447 = arith.extui %sign3A_446 : i1 to i32
      %sign3A_448 = arith.constant 0 : i32
      %sign3A_449 = arith.cmpi slt, %jit3A_436, %sign3A_448 : i32
      %sign3A_450 = arith.extui %sign3A_449 : i1 to i32
      %sign3A_451 = arith.subi %sign3A_447, %sign3A_450 : i32
      %ne3A_452 = arith.cmpi ne, %sign3A_444, %sign3A_451 : i32
      %rem3A_453 = arith.remsi %scan3A_264, %jit3A_436 : i32
      %ne3A_454 = arith.constant 0 : i32
      %ne3A_455 = arith.cmpi ne, %rem3A_453, %ne3A_454 : i32
      %and3A_456 = arith.andi %ne3A_452, %ne3A_455 : i1
      %sub3A_457 = arith.constant 1 : i32
      %sub3A_458 = arith.subi %div3A_437, %sub3A_457 : i32
      %select_n3A_459 = arith.select %and3A_456, %sub3A_458, %div3A_437 : i32
      %add3A_460 = arith.constant 16 : i32
      %add3A_461 = arith.addi %add3A_460, %select_n3A_459 : i32
      %jit3A_462 = arith.constant 8 : i32
      %eq3A_463 = arith.constant 0 : i32
      %eq3A_464 = arith.cmpi eq, %jit3A_462, %eq3A_463 : i32
      %jit3A_465 = arith.constant 1 : i32
      %select_n3A_466 = arith.select %eq3A_464, %jit3A_465, %jit3A_462 : i32
      %rem3A_467 = arith.remsi %scan3A_264, %select_n3A_466 : i32
      %ne3A_468 = arith.constant 0 : i32
      %ne3A_469 = arith.cmpi ne, %rem3A_467, %ne3A_468 : i32
      %lt3A_470 = arith.constant 0 : i32
      %lt3A_471 = arith.cmpi slt, %rem3A_467, %lt3A_470 : i32
      %lt3A_472 = arith.constant 0 : i32
      %lt3A_473 = arith.cmpi slt, %select_n3A_466, %lt3A_472 : i32
      %ne3A_474 = arith.xori %lt3A_471, %lt3A_473 : i1
      %and3A_475 = arith.andi %ne3A_474, %ne3A_469 : i1
      %add3A_476 = arith.addi %rem3A_467, %select_n3A_466 : i32
      %select_n3A_477 = arith.select %and3A_475, %add3A_476, %rem3A_467 : i32
      %mul3A_478 = arith.constant 16 : i32
      %mul3A_479 = arith.muli %select_n3A_477, %mul3A_478 : i32
      %swap3A_480 = arith.index_cast %add3A_461 : i32 to index
      %swap3A_481 = arith.index_cast %mul3A_479 : i32 to index
      %swap3A_482 = tpu.vector_load %arg12[%swap3A_480, %swap3A_481] {strides = array<i32>} : memref<128x128xf32, #tpu.memory_space<vmem>>, vector<16xf32>,
      tpu.vector_store %arg12[%swap3A_480, %swap3A_481], %add3A_435 {strides = array<i32>} : memref<128x128xf32, #tpu.memory_space<vmem>>, vector<16xf32>,
      %add3A_483 = arith.constant 256 : i32
      %add3A_484 = vector.broadcast %add3A_483 : i32 to vector<16xi32>
      %add3A_485 = arith.addi %add3A_284, %add3A_484 : vector<16xi32>
      %swap3A_486 = arith.index_cast %add3A_461 : i32 to index
      %swap3A_487 = arith.index_cast %mul3A_479 : i32 to index
      %swap3A_488 = tpu.vector_load %arg11[%swap3A_486, %swap3A_487] {strides = array<i32>} : memref<128x128xi32, #tpu.memory_space<vmem>>, vector<16xi32>,
      tpu.vector_store %arg11[%swap3A_486, %swap3A_487], %add3A_485 {strides = array<i32>} : memref<128x128xi32, #tpu.memory_space<vmem>>, vector<16xi32>,
      %mul3A_489 = vector.broadcast %squeeze3A_111 : f32 to vector<16xf32>
      %mul3A_490 = arith.mulf %abs3A, %mul3A_489 : vector<16xf32>
      %mul3A_491 = vector.broadcast %squeeze3A_113 : f32 to vector<16xf32>
      %mul3A_492 = arith.mulf %abs3A_293, %mul3A_491 : vector<16xf32>
      %add3A_493 = arith.addf %mul3A_490, %mul3A_492 : vector<16xf32>
      %mul3A_494 = vector.broadcast %squeeze3A_115 : f32 to vector<16xf32>
      %mul3A_495 = arith.mulf %abs3A_299, %mul3A_494 : vector<16xf32>
      %add3A_496 = arith.addf %add3A_493, %mul3A_495 : vector<16xf32>
      %mul3A_497 = vector.broadcast %squeeze3A_117 : f32 to vector<16xf32>
      %mul3A_498 = arith.mulf %abs3A_305, %mul3A_497 : vector<16xf32>
      %add3A_499 = arith.addf %add3A_496, %mul3A_498 : vector<16xf32>
      %jit3A_500 = arith.constant 8 : i32
      %div3A_501 = arith.divsi %scan3A_264, %jit3A_500 : i32
      %sign3A_502 = arith.constant 0 : i32
      %sign3A_503 = arith.cmpi sgt, %scan3A_264, %sign3A_502 : i32
      %sign3A_504 = arith.extui %sign3A_503 : i1 to i32
      %sign3A_505 = arith.constant 0 : i32
      %sign3A_506 = arith.cmpi slt, %scan3A_264, %sign3A_505 : i32
      %sign3A_507 = arith.extui %sign3A_506 : i1 to i32
      %sign3A_508 = arith.subi %sign3A_504, %sign3A_507 : i32
      %sign3A_509 = arith.constant 0 : i32
      %sign3A_510 = arith.cmpi sgt, %jit3A_500, %sign3A_509 : i32
      %sign3A_511 = arith.extui %sign3A_510 : i1 to i32
      %sign3A_512 = arith.constant 0 : i32
      %sign3A_513 = arith.cmpi slt, %jit3A_500, %sign3A_512 : i32
      %sign3A_514 = arith.extui %sign3A_513 : i1 to i32
      %sign3A_515 = arith.subi %sign3A_511, %sign3A_514 : i32
      %ne3A_516 = arith.cmpi ne, %sign3A_508, %sign3A_515 : i32
      %rem3A_517 = arith.remsi %scan3A_264, %jit3A_500 : i32
      %ne3A_518 = arith.constant 0 : i32
      %ne3A_519 = arith.cmpi ne, %rem3A_517, %ne3A_518 : i32
      %and3A_520 = arith.andi %ne3A_516, %ne3A_519 : i1
      %sub3A_521 = arith.constant 1 : i32
      %sub3A_522 = arith.subi %div3A_501, %sub3A_521 : i32
      %select_n3A_523 = arith.select %and3A_520, %sub3A_522, %div3A_501 : i32
      %add3A_524 = arith.constant 24 : i32
      %add3A_525 = arith.addi %add3A_524, %select_n3A_523 : i32
      %jit3A_526 = arith.constant 8 : i32
      %eq3A_527 = arith.constant 0 : i32
      %eq3A_528 = arith.cmpi eq, %jit3A_526, %eq3A_527 : i32
      %jit3A_529 = arith.constant 1 : i32
      %select_n3A_530 = arith.select %eq3A_528, %jit3A_529, %jit3A_526 : i32
      %rem3A_531 = arith.remsi %scan3A_264, %select_n3A_530 : i32
      %ne3A_532 = arith.constant 0 : i32
      %ne3A_533 = arith.cmpi ne, %rem3A_531, %ne3A_532 : i32
      %lt3A_534 = arith.constant 0 : i32
      %lt3A_535 = arith.cmpi slt, %rem3A_531, %lt3A_534 : i32
      %lt3A_536 = arith.constant 0 : i32
      %lt3A_537 = arith.cmpi slt, %select_n3A_530, %lt3A_536 : i32
      %ne3A_538 = arith.xori %lt3A_535, %lt3A_537 : i1
      %and3A_539 = arith.andi %ne3A_538, %ne3A_533 : i1
      %add3A_540 = arith.addi %rem3A_531, %select_n3A_530 : i32
      %select_n3A_541 = arith.select %and3A_539, %add3A_540, %rem3A_531 : i32
      %mul3A_542 = arith.constant 16 : i32
      %mul3A_543 = arith.muli %select_n3A_541, %mul3A_542 : i32
      %swap3A_544 = arith.index_cast %add3A_525 : i32 to index
      %swap3A_545 = arith.index_cast %mul3A_543 : i32 to index
      %swap3A_546 = tpu.vector_load %arg12[%swap3A_544, %swap3A_545] {strides = array<i32>} : memref<128x128xf32, #tpu.memory_space<vmem>>, vector<16xf32>,
      tpu.vector_store %arg12[%swap3A_544, %swap3A_545], %add3A_499 {strides = array<i32>} : memref<128x128xf32, #tpu.memory_space<vmem>>, vector<16xf32>,
      %add3A_547 = arith.constant 384 : i32
      %add3A_548 = vector.broadcast %add3A_547 : i32 to vector<16xi32>
      %add3A_549 = arith.addi %add3A_284, %add3A_548 : vector<16xi32>
      %swap3A_550 = arith.index_cast %add3A_525 : i32 to index
      %swap3A_551 = arith.index_cast %mul3A_543 : i32 to index
      %swap3A_552 = tpu.vector_load %arg11[%swap3A_550, %swap3A_551] {strides = array<i32>} : memref<128x128xi32, #tpu.memory_space<vmem>>, vector<16xi32>,
      tpu.vector_store %arg11[%swap3A_550, %swap3A_551], %add3A_549 {strides = array<i32>} : memref<128x128xi32, #tpu.memory_space<vmem>>, vector<16xi32>,
      %mul3A_553 = vector.broadcast %squeeze3A_119 : f32 to vector<16xf32>
      %mul3A_554 = arith.mulf %abs3A, %mul3A_553 : vector<16xf32>
      %mul3A_555 = vector.broadcast %squeeze3A_121 : f32 to vector<16xf32>
      %mul3A_556 = arith.mulf %abs3A_293, %mul3A_555 : vector<16xf32>
      %add3A_557 = arith.addf %mul3A_554, %mul3A_556 : vector<16xf32>
      %mul3A_558 = vector.broadcast %squeeze3A_123 : f32 to vector<16xf32>
      %mul3A_559 = arith.mulf %abs3A_299, %mul3A_558 : vector<16xf32>
      %add3A_560 = arith.addf %add3A_557, %mul3A_559 : vector<16xf32>
      %mul3A_561 = vector.broadcast %squeeze3A_125 : f32 to vector<16xf32>
      %mul3A_562 = arith.mulf %abs3A_305, %mul3A_561 : vector<16xf32>
      %add3A_563 = arith.addf %add3A_560, %mul3A_562 : vector<16xf32>
      %jit3A_564 = arith.constant 8 : i32
      %div3A_565 = arith.divsi %scan3A_264, %jit3A_564 : i32
      %sign3A_566 = arith.constant 0 : i32
      %sign3A_567 = arith.cmpi sgt, %scan3A_264, %sign3A_566 : i32
      %sign3A_568 = arith.extui %sign3A_567 : i1 to i32
      %sign3A_569 = arith.constant 0 : i32
      %sign3A_570 = arith.cmpi slt, %scan3A_264, %sign3A_569 : i32
      %sign3A_571 = arith.extui %sign3A_570 : i1 to i32
      %sign3A_572 = arith.subi %sign3A_568, %sign3A_571 : i32
      %sign3A_573 = arith.constant 0 : i32
      %sign3A_574 = arith.cmpi sgt, %jit3A_564, %sign3A_573 : i32
      %sign3A_575 = arith.extui %sign3A_574 : i1 to i32
      %sign3A_576 = arith.constant 0 : i32
      %sign3A_577 = arith.cmpi slt, %jit3A_564, %sign3A_576 : i32
      %sign3A_578 = arith.extui %sign3A_577 : i1 to i32
      %sign3A_579 = arith.subi %sign3A_575, %sign3A_578 : i32
      %ne3A_580 = arith.cmpi ne, %sign3A_572, %sign3A_579 : i32
      %rem3A_581 = arith.remsi %scan3A_264, %jit3A_564 : i32
      %ne3A_582 = arith.constant 0 : i32
      %ne3A_583 = arith.cmpi ne, %rem3A_581, %ne3A_582 : i32
      %and3A_584 = arith.andi %ne3A_580, %ne3A_583 : i1
      %sub3A_585 = arith.constant 1 : i32
      %sub3A_586 = arith.subi %div3A_565, %sub3A_585 : i32
      %select_n3A_587 = arith.select %and3A_584, %sub3A_586, %div3A_565 : i32
      %add3A_588 = arith.constant 32 : i32
      %add3A_589 = arith.addi %add3A_588, %select_n3A_587 : i32
      %jit3A_590 = arith.constant 8 : i32
      %eq3A_591 = arith.constant 0 : i32
      %eq3A_592 = arith.cmpi eq, %jit3A_590, %eq3A_591 : i32
      %jit3A_593 = arith.constant 1 : i32
      %select_n3A_594 = arith.select %eq3A_592, %jit3A_593, %jit3A_590 : i32
      %rem3A_595 = arith.remsi %scan3A_264, %select_n3A_594 : i32
      %ne3A_596 = arith.constant 0 : i32
      %ne3A_597 = arith.cmpi ne, %rem3A_595, %ne3A_596 : i32
      %lt3A_598 = arith.constant 0 : i32
      %lt3A_599 = arith.cmpi slt, %rem3A_595, %lt3A_598 : i32
      %lt3A_600 = arith.constant 0 : i32
      %lt3A_601 = arith.cmpi slt, %select_n3A_594, %lt3A_600 : i32
      %ne3A_602 = arith.xori %lt3A_599, %lt3A_601 : i1
      %and3A_603 = arith.andi %ne3A_602, %ne3A_597 : i1
      %add3A_604 = arith.addi %rem3A_595, %select_n3A_594 : i32
      %select_n3A_605 = arith.select %and3A_603, %add3A_604, %rem3A_595 : i32
      %mul3A_606 = arith.constant 16 : i32
      %mul3A_607 = arith.muli %select_n3A_605, %mul3A_606 : i32
      %swap3A_608 = arith.index_cast %add3A_589 : i32 to index
      %swap3A_609 = arith.index_cast %mul3A_607 : i32 to index
      %swap3A_610 = tpu.vector_load %arg12[%swap3A_608, %swap3A_609] {strides = array<i32>} : memref<128x128xf32, #tpu.memory_space<vmem>>, vector<16xf32>,
      tpu.vector_store %arg12[%swap3A_608, %swap3A_609], %add3A_563 {strides = array<i32>} : memref<128x128xf32, #tpu.memory_space<vmem>>, vector<16xf32>,
      %add3A_611 = arith.constant 4096 : i32
      %add3A_612 = vector.broadcast %add3A_611 : i32 to vector<16xi32>
      %add3A_613 = arith.addi %add3A_284, %add3A_612 : vector<16xi32>
      %swap3A_614 = arith.index_cast %add3A_589 : i32 to index
      %swap3A_615 = arith.index_cast %mul3A_607 : i32 to index
      %swap3A_616 = tpu.vector_load %arg11[%swap3A_614, %swap3A_615] {strides = array<i32>} : memref<128x128xi32, #tpu.memory_space<vmem>>, vector<16xi32>,
      tpu.vector_store %arg11[%swap3A_614, %swap3A_615], %add3A_613 {strides = array<i32>} : memref<128x128xi32, #tpu.memory_space<vmem>>, vector<16xi32>,
      %mul3A_617 = vector.broadcast %squeeze3A_127 : f32 to vector<16xf32>
      %mul3A_618 = arith.mulf %abs3A, %mul3A_617 : vector<16xf32>
      %mul3A_619 = vector.broadcast %squeeze3A_129 : f32 to vector<16xf32>
      %mul3A_620 = arith.mulf %abs3A_293, %mul3A_619 : vector<16xf32>
      %add3A_621 = arith.addf %mul3A_618, %mul3A_620 : vector<16xf32>
      %mul3A_622 = vector.broadcast %squeeze3A_131 : f32 to vector<16xf32>
      %mul3A_623 = arith.mulf %abs3A_299, %mul3A_622 : vector<16xf32>
      %add3A_624 = arith.addf %add3A_621, %mul3A_623 : vector<16xf32>
      %mul3A_625 = vector.broadcast %squeeze3A_133 : f32 to vector<16xf32>
      %mul3A_626 = arith.mulf %abs3A_305, %mul3A_625 : vector<16xf32>
      %add3A_627 = arith.addf %add3A_624, %mul3A_626 : vector<16xf32>
      %jit3A_628 = arith.constant 8 : i32
      %div3A_629 = arith.divsi %scan3A_264, %jit3A_628 : i32
      %sign3A_630 = arith.constant 0 : i32
      %sign3A_631 = arith.cmpi sgt, %scan3A_264, %sign3A_630 : i32
      %sign3A_632 = arith.extui %sign3A_631 : i1 to i32
      %sign3A_633 = arith.constant 0 : i32
      %sign3A_634 = arith.cmpi slt, %scan3A_264, %sign3A_633 : i32
      %sign3A_635 = arith.extui %sign3A_634 : i1 to i32
      %sign3A_636 = arith.subi %sign3A_632, %sign3A_635 : i32
      %sign3A_637 = arith.constant 0 : i32
      %sign3A_638 = arith.cmpi sgt, %jit3A_628, %sign3A_637 : i32
      %sign3A_639 = arith.extui %sign3A_638 : i1 to i32
      %sign3A_640 = arith.constant 0 : i32
      %sign3A_641 = arith.cmpi slt, %jit3A_628, %sign3A_640 : i32
      %sign3A_642 = arith.extui %sign3A_641 : i1 to i32
      %sign3A_643 = arith.subi %sign3A_639, %sign3A_642 : i32
      %ne3A_644 = arith.cmpi ne, %sign3A_636, %sign3A_643 : i32
      %rem3A_645 = arith.remsi %scan3A_264, %jit3A_628 : i32
      %ne3A_646 = arith.constant 0 : i32
      %ne3A_647 = arith.cmpi ne, %rem3A_645, %ne3A_646 : i32
      %and3A_648 = arith.andi %ne3A_644, %ne3A_647 : i1
      %sub3A_649 = arith.constant 1 : i32
      %sub3A_650 = arith.subi %div3A_629, %sub3A_649 : i32
      %select_n3A_651 = arith.select %and3A_648, %sub3A_650, %div3A_629 : i32
      %add3A_652 = arith.constant 40 : i32
      %add3A_653 = arith.addi %add3A_652, %select_n3A_651 : i32
      %jit3A_654 = arith.constant 8 : i32
      %eq3A_655 = arith.constant 0 : i32
      %eq3A_656 = arith.cmpi eq, %jit3A_654, %eq3A_655 : i32
      %jit3A_657 = arith.constant 1 : i32
      %select_n3A_658 = arith.select %eq3A_656, %jit3A_657, %jit3A_654 : i32
      %rem3A_659 = arith.remsi %scan3A_264, %select_n3A_658 : i32
      %ne3A_660 = arith.constant 0 : i32
      %ne3A_661 = arith.cmpi ne, %rem3A_659, %ne3A_660 : i32
      %lt3A_662 = arith.constant 0 : i32
      %lt3A_663 = arith.cmpi slt, %rem3A_659, %lt3A_662 : i32
      %lt3A_664 = arith.constant 0 : i32
      %lt3A_665 = arith.cmpi slt, %select_n3A_658, %lt3A_664 : i32
      %ne3A_666 = arith.xori %lt3A_663, %lt3A_665 : i1
      %and3A_667 = arith.andi %ne3A_666, %ne3A_661 : i1
      %add3A_668 = arith.addi %rem3A_659, %select_n3A_658 : i32
      %select_n3A_669 = arith.select %and3A_667, %add3A_668, %rem3A_659 : i32
      %mul3A_670 = arith.constant 16 : i32
      %mul3A_671 = arith.muli %select_n3A_669, %mul3A_670 : i32
      %swap3A_672 = arith.index_cast %add3A_653 : i32 to index
      %swap3A_673 = arith.index_cast %mul3A_671 : i32 to index
      %swap3A_674 = tpu.vector_load %arg12[%swap3A_672, %swap3A_673] {strides = array<i32>} : memref<128x128xf32, #tpu.memory_space<vmem>>, vector<16xf32>,
      tpu.vector_store %arg12[%swap3A_672, %swap3A_673], %add3A_627 {strides = array<i32>} : memref<128x128xf32, #tpu.memory_space<vmem>>, vector<16xf32>,
      %add3A_675 = arith.constant 4224 : i32
      %add3A_676 = vector.broadcast %add3A_675 : i32 to vector<16xi32>
      %add3A_677 = arith.addi %add3A_284, %add3A_676 : vector<16xi32>
      %swap3A_678 = arith.index_cast %add3A_653 : i32 to index
      %swap3A_679 = arith.index_cast %mul3A_671 : i32 to index
      %swap3A_680 = tpu.vector_load %arg11[%swap3A_678, %swap3A_679] {strides = array<i32>} : memref<128x128xi32, #tpu.memory_space<vmem>>, vector<16xi32>,
      tpu.vector_store %arg11[%swap3A_678, %swap3A_679], %add3A_677 {strides = array<i32>} : memref<128x128xi32, #tpu.memory_space<vmem>>, vector<16xi32>,
      %mul3A_681 = vector.broadcast %squeeze3A_135 : f32 to vector<16xf32>
      %mul3A_682 = arith.mulf %abs3A, %mul3A_681 : vector<16xf32>
      %mul3A_683 = vector.broadcast %squeeze3A_137 : f32 to vector<16xf32>
      %mul3A_684 = arith.mulf %abs3A_293, %mul3A_683 : vector<16xf32>
      %add3A_685 = arith.addf %mul3A_682, %mul3A_684 : vector<16xf32>
      %mul3A_686 = vector.broadcast %squeeze3A_139 : f32 to vector<16xf32>
      %mul3A_687 = arith.mulf %abs3A_299, %mul3A_686 : vector<16xf32>
      %add3A_688 = arith.addf %add3A_685, %mul3A_687 : vector<16xf32>
      %mul3A_689 = vector.broadcast %squeeze3A_141 : f32 to vector<16xf32>
      %mul3A_690 = arith.mulf %abs3A_305, %mul3A_689 : vector<16xf32>
      %add3A_691 = arith.addf %add3A_688, %mul3A_690 : vector<16xf32>
      %jit3A_692 = arith.constant 8 : i32
      %div3A_693 = arith.divsi %scan3A_264, %jit3A_692 : i32
      %sign3A_694 = arith.constant 0 : i32
      %sign3A_695 = arith.cmpi sgt, %scan3A_264, %sign3A_694 : i32
      %sign3A_696 = arith.extui %sign3A_695 : i1 to i32
      %sign3A_697 = arith.constant 0 : i32
      %sign3A_698 = arith.cmpi slt, %scan3A_264, %sign3A_697 : i32
      %sign3A_699 = arith.extui %sign3A_698 : i1 to i32
      %sign3A_700 = arith.subi %sign3A_696, %sign3A_699 : i32
      %sign3A_701 = arith.constant 0 : i32
      %sign3A_702 = arith.cmpi sgt, %jit3A_692, %sign3A_701 : i32
      %sign3A_703 = arith.extui %sign3A_702 : i1 to i32
      %sign3A_704 = arith.constant 0 : i32
      %sign3A_705 = arith.cmpi slt, %jit3A_692, %sign3A_704 : i32
      %sign3A_706 = arith.extui %sign3A_705 : i1 to i32
      %sign3A_707 = arith.subi %sign3A_703, %sign3A_706 : i32
      %ne3A_708 = arith.cmpi ne, %sign3A_700, %sign3A_707 : i32
      %rem3A_709 = arith.remsi %scan3A_264, %jit3A_692 : i32
      %ne3A_710 = arith.constant 0 : i32
      %ne3A_711 = arith.cmpi ne, %rem3A_709, %ne3A_710 : i32
      %and3A_712 = arith.andi %ne3A_708, %ne3A_711 : i1
      %sub3A_713 = arith.constant 1 : i32
      %sub3A_714 = arith.subi %div3A_693, %sub3A_713 : i32
      %select_n3A_715 = arith.select %and3A_712, %sub3A_714, %div3A_693 : i32
      %add3A_716 = arith.constant 48 : i32
      %add3A_717 = arith.addi %add3A_716, %select_n3A_715 : i32
      %jit3A_718 = arith.constant 8 : i32
      %eq3A_719 = arith.constant 0 : i32
      %eq3A_720 = arith.cmpi eq, %jit3A_718, %eq3A_719 : i32
      %jit3A_721 = arith.constant 1 : i32
      %select_n3A_722 = arith.select %eq3A_720, %jit3A_721, %jit3A_718 : i32
      %rem3A_723 = arith.remsi %scan3A_264, %select_n3A_722 : i32
      %ne3A_724 = arith.constant 0 : i32
      %ne3A_725 = arith.cmpi ne, %rem3A_723, %ne3A_724 : i32
      %lt3A_726 = arith.constant 0 : i32
      %lt3A_727 = arith.cmpi slt, %rem3A_723, %lt3A_726 : i32
      %lt3A_728 = arith.constant 0 : i32
      %lt3A_729 = arith.cmpi slt, %select_n3A_722, %lt3A_728 : i32
      %ne3A_730 = arith.xori %lt3A_727, %lt3A_729 : i1
      %and3A_731 = arith.andi %ne3A_730, %ne3A_725 : i1
      %add3A_732 = arith.addi %rem3A_723, %select_n3A_722 : i32
      %select_n3A_733 = arith.select %and3A_731, %add3A_732, %rem3A_723 : i32
      %mul3A_734 = arith.constant 16 : i32
      %mul3A_735 = arith.muli %select_n3A_733, %mul3A_734 : i32
      %swap3A_736 = arith.index_cast %add3A_717 : i32 to index
      %swap3A_737 = arith.index_cast %mul3A_735 : i32 to index
      %swap3A_738 = tpu.vector_load %arg12[%swap3A_736, %swap3A_737] {strides = array<i32>} : memref<128x128xf32, #tpu.memory_space<vmem>>, vector<16xf32>,
      tpu.vector_store %arg12[%swap3A_736, %swap3A_737], %add3A_691 {strides = array<i32>} : memref<128x128xf32, #tpu.memory_space<vmem>>, vector<16xf32>,
      %add3A_739 = arith.constant 4352 : i32
      %add3A_740 = vector.broadcast %add3A_739 : i32 to vector<16xi32>
      %add3A_741 = arith.addi %add3A_284, %add3A_740 : vector<16xi32>
      %swap3A_742 = arith.index_cast %add3A_717 : i32 to index
      %swap3A_743 = arith.index_cast %mul3A_735 : i32 to index
      %swap3A_744 = tpu.vector_load %arg11[%swap3A_742, %swap3A_743] {strides = array<i32>} : memref<128x128xi32, #tpu.memory_space<vmem>>, vector<16xi32>,
      tpu.vector_store %arg11[%swap3A_742, %swap3A_743], %add3A_741 {strides = array<i32>} : memref<128x128xi32, #tpu.memory_space<vmem>>, vector<16xi32>,
      %mul3A_745 = vector.broadcast %squeeze3A_143 : f32 to vector<16xf32>
      %mul3A_746 = arith.mulf %abs3A, %mul3A_745 : vector<16xf32>
      %mul3A_747 = vector.broadcast %squeeze3A_145 : f32 to vector<16xf32>
      %mul3A_748 = arith.mulf %abs3A_293, %mul3A_747 : vector<16xf32>
      %add3A_749 = arith.addf %mul3A_746, %mul3A_748 : vector<16xf32>
      %mul3A_750 = vector.broadcast %squeeze3A_147 : f32 to vector<16xf32>
      %mul3A_751 = arith.mulf %abs3A_299, %mul3A_750 : vector<16xf32>
      %add3A_752 = arith.addf %add3A_749, %mul3A_751 : vector<16xf32>
      %mul3A_753 = vector.broadcast %squeeze3A_149 : f32 to vector<16xf32>
      %mul3A_754 = arith.mulf %abs3A_305, %mul3A_753 : vector<16xf32>
      %add3A_755 = arith.addf %add3A_752, %mul3A_754 : vector<16xf32>
      %jit3A_756 = arith.constant 8 : i32
      %div3A_757 = arith.divsi %scan3A_264, %jit3A_756 : i32
      %sign3A_758 = arith.constant 0 : i32
      %sign3A_759 = arith.cmpi sgt, %scan3A_264, %sign3A_758 : i32
      %sign3A_760 = arith.extui %sign3A_759 : i1 to i32
      %sign3A_761 = arith.constant 0 : i32
      %sign3A_762 = arith.cmpi slt, %scan3A_264, %sign3A_761 : i32
      %sign3A_763 = arith.extui %sign3A_762 : i1 to i32
      %sign3A_764 = arith.subi %sign3A_760, %sign3A_763 : i32
      %sign3A_765 = arith.constant 0 : i32
      %sign3A_766 = arith.cmpi sgt, %jit3A_756, %sign3A_765 : i32
      %sign3A_767 = arith.extui %sign3A_766 : i1 to i32
      %sign3A_768 = arith.constant 0 : i32
      %sign3A_769 = arith.cmpi slt, %jit3A_756, %sign3A_768 : i32
      %sign3A_770 = arith.extui %sign3A_769 : i1 to i32
      %sign3A_771 = arith.subi %sign3A_767, %sign3A_770 : i32
      %ne3A_772 = arith.cmpi ne, %sign3A_764, %sign3A_771 : i32
      %rem3A_773 = arith.remsi %scan3A_264, %jit3A_756 : i32
      %ne3A_774 = arith.constant 0 : i32
      %ne3A_775 = arith.cmpi ne, %rem3A_773, %ne3A_774 : i32
      %and3A_776 = arith.andi %ne3A_772, %ne3A_775 : i1
      %sub3A_777 = arith.constant 1 : i32
      %sub3A_778 = arith.subi %div3A_757, %sub3A_777 : i32
      %select_n3A_779 = arith.select %and3A_776, %sub3A_778, %div3A_757 : i32
      %add3A_780 = arith.constant 56 : i32
      %add3A_781 = arith.addi %add3A_780, %select_n3A_779 : i32
      %jit3A_782 = arith.constant 8 : i32
      %eq3A_783 = arith.constant 0 : i32
      %eq3A_784 = arith.cmpi eq, %jit3A_782, %eq3A_783 : i32
      %jit3A_785 = arith.constant 1 : i32
      %select_n3A_786 = arith.select %eq3A_784, %jit3A_785, %jit3A_782 : i32
      %rem3A_787 = arith.remsi %scan3A_264, %select_n3A_786 : i32
      %ne3A_788 = arith.constant 0 : i32
      %ne3A_789 = arith.cmpi ne, %rem3A_787, %ne3A_788 : i32
      %lt3A_790 = arith.constant 0 : i32
      %lt3A_791 = arith.cmpi slt, %rem3A_787, %lt3A_790 : i32
      %lt3A_792 = arith.constant 0 : i32
      %lt3A_793 = arith.cmpi slt, %select_n3A_786, %lt3A_792 : i32
      %ne3A_794 = arith.xori %lt3A_791, %lt3A_793 : i1
      %and3A_795 = arith.andi %ne3A_794, %ne3A_789 : i1
      %add3A_796 = arith.addi %rem3A_787, %select_n3A_786 : i32
      %select_n3A_797 = arith.select %and3A_795, %add3A_796, %rem3A_787 : i32
      %mul3A_798 = arith.constant 16 : i32
      %mul3A_799 = arith.muli %select_n3A_797, %mul3A_798 : i32
      %swap3A_800 = arith.index_cast %add3A_781 : i32 to index
      %swap3A_801 = arith.index_cast %mul3A_799 : i32 to index
      %swap3A_802 = tpu.vector_load %arg12[%swap3A_800, %swap3A_801] {strides = array<i32>} : memref<128x128xf32, #tpu.memory_space<vmem>>, vector<16xf32>,
      tpu.vector_store %arg12[%swap3A_800, %swap3A_801], %add3A_755 {strides = array<i32>} : memref<128x128xf32, #tpu.memory_space<vmem>>, vector<16xf32>,
      %add3A_803 = arith.constant 4480 : i32
      %add3A_804 = vector.broadcast %add3A_803 : i32 to vector<16xi32>
      %add3A_805 = arith.addi %add3A_284, %add3A_804 : vector<16xi32>
      %swap3A_806 = arith.index_cast %add3A_781 : i32 to index
      %swap3A_807 = arith.index_cast %mul3A_799 : i32 to index
      %swap3A_808 = tpu.vector_load %arg11[%swap3A_806, %swap3A_807] {strides = array<i32>} : memref<128x128xi32, #tpu.memory_space<vmem>>, vector<16xi32>,
      tpu.vector_store %arg11[%swap3A_806, %swap3A_807], %add3A_805 {strides = array<i32>} : memref<128x128xi32, #tpu.memory_space<vmem>>, vector<16xi32>,
      %mul3A_809 = vector.broadcast %squeeze3A_151 : f32 to vector<16xf32>
      %mul3A_810 = arith.mulf %abs3A, %mul3A_809 : vector<16xf32>
      %mul3A_811 = vector.broadcast %squeeze3A_153 : f32 to vector<16xf32>
      %mul3A_812 = arith.mulf %abs3A_293, %mul3A_811 : vector<16xf32>
      %add3A_813 = arith.addf %mul3A_810, %mul3A_812 : vector<16xf32>
      %mul3A_814 = vector.broadcast %squeeze3A_155 : f32 to vector<16xf32>
      %mul3A_815 = arith.mulf %abs3A_299, %mul3A_814 : vector<16xf32>
      %add3A_816 = arith.addf %add3A_813, %mul3A_815 : vector<16xf32>
      %mul3A_817 = vector.broadcast %squeeze3A_157 : f32 to vector<16xf32>
      %mul3A_818 = arith.mulf %abs3A_305, %mul3A_817 : vector<16xf32>
      %add3A_819 = arith.addf %add3A_816, %mul3A_818 : vector<16xf32>
      %jit3A_820 = arith.constant 8 : i32
      %div3A_821 = arith.divsi %scan3A_264, %jit3A_820 : i32
      %sign3A_822 = arith.constant 0 : i32
      %sign3A_823 = arith.cmpi sgt, %scan3A_264, %sign3A_822 : i32
      %sign3A_824 = arith.extui %sign3A_823 : i1 to i32
      %sign3A_825 = arith.constant 0 : i32
      %sign3A_826 = arith.cmpi slt, %scan3A_264, %sign3A_825 : i32
      %sign3A_827 = arith.extui %sign3A_826 : i1 to i32
      %sign3A_828 = arith.subi %sign3A_824, %sign3A_827 : i32
      %sign3A_829 = arith.constant 0 : i32
      %sign3A_830 = arith.cmpi sgt, %jit3A_820, %sign3A_829 : i32
      %sign3A_831 = arith.extui %sign3A_830 : i1 to i32
      %sign3A_832 = arith.constant 0 : i32
      %sign3A_833 = arith.cmpi slt, %jit3A_820, %sign3A_832 : i32
      %sign3A_834 = arith.extui %sign3A_833 : i1 to i32
      %sign3A_835 = arith.subi %sign3A_831, %sign3A_834 : i32
      %ne3A_836 = arith.cmpi ne, %sign3A_828, %sign3A_835 : i32
      %rem3A_837 = arith.remsi %scan3A_264, %jit3A_820 : i32
      %ne3A_838 = arith.constant 0 : i32
      %ne3A_839 = arith.cmpi ne, %rem3A_837, %ne3A_838 : i32
      %and3A_840 = arith.andi %ne3A_836, %ne3A_839 : i1
      %sub3A_841 = arith.constant 1 : i32
      %sub3A_842 = arith.subi %div3A_821, %sub3A_841 : i32
      %select_n3A_843 = arith.select %and3A_840, %sub3A_842, %div3A_821 : i32
      %add3A_844 = arith.constant 64 : i32
      %add3A_845 = arith.addi %add3A_844, %select_n3A_843 : i32
      %jit3A_846 = arith.constant 8 : i32
      %eq3A_847 = arith.constant 0 : i32
      %eq3A_848 = arith.cmpi eq, %jit3A_846, %eq3A_847 : i32
      %jit3A_849 = arith.constant 1 : i32
      %select_n3A_850 = arith.select %eq3A_848, %jit3A_849, %jit3A_846 : i32
      %rem3A_851 = arith.remsi %scan3A_264, %select_n3A_850 : i32
      %ne3A_852 = arith.constant 0 : i32
      %ne3A_853 = arith.cmpi ne, %rem3A_851, %ne3A_852 : i32
      %lt3A_854 = arith.constant 0 : i32
      %lt3A_855 = arith.cmpi slt, %rem3A_851, %lt3A_854 : i32
      %lt3A_856 = arith.constant 0 : i32
      %lt3A_857 = arith.cmpi slt, %select_n3A_850, %lt3A_856 : i32
      %ne3A_858 = arith.xori %lt3A_855, %lt3A_857 : i1
      %and3A_859 = arith.andi %ne3A_858, %ne3A_853 : i1
      %add3A_860 = arith.addi %rem3A_851, %select_n3A_850 : i32
      %select_n3A_861 = arith.select %and3A_859, %add3A_860, %rem3A_851 : i32
      %mul3A_862 = arith.constant 16 : i32
      %mul3A_863 = arith.muli %select_n3A_861, %mul3A_862 : i32
      %swap3A_864 = arith.index_cast %add3A_845 : i32 to index
      %swap3A_865 = arith.index_cast %mul3A_863 : i32 to index
      %swap3A_866 = tpu.vector_load %arg12[%swap3A_864, %swap3A_865] {strides = array<i32>} : memref<128x128xf32, #tpu.memory_space<vmem>>, vector<16xf32>,
      tpu.vector_store %arg12[%swap3A_864, %swap3A_865], %add3A_819 {strides = array<i32>} : memref<128x128xf32, #tpu.memory_space<vmem>>, vector<16xf32>,
      %add3A_867 = arith.constant 8192 : i32
      %add3A_868 = vector.broadcast %add3A_867 : i32 to vector<16xi32>
      %add3A_869 = arith.addi %add3A_284, %add3A_868 : vector<16xi32>
      %swap3A_870 = arith.index_cast %add3A_845 : i32 to index
      %swap3A_871 = arith.index_cast %mul3A_863 : i32 to index
      %swap3A_872 = tpu.vector_load %arg11[%swap3A_870, %swap3A_871] {strides = array<i32>} : memref<128x128xi32, #tpu.memory_space<vmem>>, vector<16xi32>,
      tpu.vector_store %arg11[%swap3A_870, %swap3A_871], %add3A_869 {strides = array<i32>} : memref<128x128xi32, #tpu.memory_space<vmem>>, vector<16xi32>,
      %mul3A_873 = vector.broadcast %squeeze3A_159 : f32 to vector<16xf32>
      %mul3A_874 = arith.mulf %abs3A, %mul3A_873 : vector<16xf32>
      %mul3A_875 = vector.broadcast %squeeze3A_161 : f32 to vector<16xf32>
      %mul3A_876 = arith.mulf %abs3A_293, %mul3A_875 : vector<16xf32>
      %add3A_877 = arith.addf %mul3A_874, %mul3A_876 : vector<16xf32>
      %mul3A_878 = vector.broadcast %squeeze3A_163 : f32 to vector<16xf32>
      %mul3A_879 = arith.mulf %abs3A_299, %mul3A_878 : vector<16xf32>
      %add3A_880 = arith.addf %add3A_877, %mul3A_879 : vector<16xf32>
      %mul3A_881 = vector.broadcast %squeeze3A_165 : f32 to vector<16xf32>
      %mul3A_882 = arith.mulf %abs3A_305, %mul3A_881 : vector<16xf32>
      %add3A_883 = arith.addf %add3A_880, %mul3A_882 : vector<16xf32>
      %jit3A_884 = arith.constant 8 : i32
      %div3A_885 = arith.divsi %scan3A_264, %jit3A_884 : i32
      %sign3A_886 = arith.constant 0 : i32
      %sign3A_887 = arith.cmpi sgt, %scan3A_264, %sign3A_886 : i32
      %sign3A_888 = arith.extui %sign3A_887 : i1 to i32
      %sign3A_889 = arith.constant 0 : i32
      %sign3A_890 = arith.cmpi slt, %scan3A_264, %sign3A_889 : i32
      %sign3A_891 = arith.extui %sign3A_890 : i1 to i32
      %sign3A_892 = arith.subi %sign3A_888, %sign3A_891 : i32
      %sign3A_893 = arith.constant 0 : i32
      %sign3A_894 = arith.cmpi sgt, %jit3A_884, %sign3A_893 : i32
      %sign3A_895 = arith.extui %sign3A_894 : i1 to i32
      %sign3A_896 = arith.constant 0 : i32
      %sign3A_897 = arith.cmpi slt, %jit3A_884, %sign3A_896 : i32
      %sign3A_898 = arith.extui %sign3A_897 : i1 to i32
      %sign3A_899 = arith.subi %sign3A_895, %sign3A_898 : i32
      %ne3A_900 = arith.cmpi ne, %sign3A_892, %sign3A_899 : i32
      %rem3A_901 = arith.remsi %scan3A_264, %jit3A_884 : i32
      %ne3A_902 = arith.constant 0 : i32
      %ne3A_903 = arith.cmpi ne, %rem3A_901, %ne3A_902 : i32
      %and3A_904 = arith.andi %ne3A_900, %ne3A_903 : i1
      %sub3A_905 = arith.constant 1 : i32
      %sub3A_906 = arith.subi %div3A_885, %sub3A_905 : i32
      %select_n3A_907 = arith.select %and3A_904, %sub3A_906, %div3A_885 : i32
      %add3A_908 = arith.constant 72 : i32
      %add3A_909 = arith.addi %add3A_908, %select_n3A_907 : i32
      %jit3A_910 = arith.constant 8 : i32
      %eq3A_911 = arith.constant 0 : i32
      %eq3A_912 = arith.cmpi eq, %jit3A_910, %eq3A_911 : i32
      %jit3A_913 = arith.constant 1 : i32
      %select_n3A_914 = arith.select %eq3A_912, %jit3A_913, %jit3A_910 : i32
      %rem3A_915 = arith.remsi %scan3A_264, %select_n3A_914 : i32
      %ne3A_916 = arith.constant 0 : i32
      %ne3A_917 = arith.cmpi ne, %rem3A_915, %ne3A_916 : i32
      %lt3A_918 = arith.constant 0 : i32
      %lt3A_919 = arith.cmpi slt, %rem3A_915, %lt3A_918 : i32
      %lt3A_920 = arith.constant 0 : i32
      %lt3A_921 = arith.cmpi slt, %select_n3A_914, %lt3A_920 : i32
      %ne3A_922 = arith.xori %lt3A_919, %lt3A_921 : i1
      %and3A_923 = arith.andi %ne3A_922, %ne3A_917 : i1
      %add3A_924 = arith.addi %rem3A_915, %select_n3A_914 : i32
      %select_n3A_925 = arith.select %and3A_923, %add3A_924, %rem3A_915 : i32
      %mul3A_926 = arith.constant 16 : i32
      %mul3A_927 = arith.muli %select_n3A_925, %mul3A_926 : i32
      %swap3A_928 = arith.index_cast %add3A_909 : i32 to index
      %swap3A_929 = arith.index_cast %mul3A_927 : i32 to index
      %swap3A_930 = tpu.vector_load %arg12[%swap3A_928, %swap3A_929] {strides = array<i32>} : memref<128x128xf32, #tpu.memory_space<vmem>>, vector<16xf32>,
      tpu.vector_store %arg12[%swap3A_928, %swap3A_929], %add3A_883 {strides = array<i32>} : memref<128x128xf32, #tpu.memory_space<vmem>>, vector<16xf32>,
      %add3A_931 = arith.constant 8320 : i32
      %add3A_932 = vector.broadcast %add3A_931 : i32 to vector<16xi32>
      %add3A_933 = arith.addi %add3A_284, %add3A_932 : vector<16xi32>
      %swap3A_934 = arith.index_cast %add3A_909 : i32 to index
      %swap3A_935 = arith.index_cast %mul3A_927 : i32 to index
      %swap3A_936 = tpu.vector_load %arg11[%swap3A_934, %swap3A_935] {strides = array<i32>} : memref<128x128xi32, #tpu.memory_space<vmem>>, vector<16xi32>,
      tpu.vector_store %arg11[%swap3A_934, %swap3A_935], %add3A_933 {strides = array<i32>} : memref<128x128xi32, #tpu.memory_space<vmem>>, vector<16xi32>,
      %mul3A_937 = vector.broadcast %squeeze3A_167 : f32 to vector<16xf32>
      %mul3A_938 = arith.mulf %abs3A, %mul3A_937 : vector<16xf32>
      %mul3A_939 = vector.broadcast %squeeze3A_169 : f32 to vector<16xf32>
      %mul3A_940 = arith.mulf %abs3A_293, %mul3A_939 : vector<16xf32>
      %add3A_941 = arith.addf %mul3A_938, %mul3A_940 : vector<16xf32>
      %mul3A_942 = vector.broadcast %squeeze3A_171 : f32 to vector<16xf32>
      %mul3A_943 = arith.mulf %abs3A_299, %mul3A_942 : vector<16xf32>
      %add3A_944 = arith.addf %add3A_941, %mul3A_943 : vector<16xf32>
      %mul3A_945 = vector.broadcast %squeeze3A_173 : f32 to vector<16xf32>
      %mul3A_946 = arith.mulf %abs3A_305, %mul3A_945 : vector<16xf32>
      %add3A_947 = arith.addf %add3A_944, %mul3A_946 : vector<16xf32>
      %jit3A_948 = arith.constant 8 : i32
      %div3A_949 = arith.divsi %scan3A_264, %jit3A_948 : i32
      %sign3A_950 = arith.constant 0 : i32
      %sign3A_951 = arith.cmpi sgt, %scan3A_264, %sign3A_950 : i32
      %sign3A_952 = arith.extui %sign3A_951 : i1 to i32
      %sign3A_953 = arith.constant 0 : i32
      %sign3A_954 = arith.cmpi slt, %scan3A_264, %sign3A_953 : i32
      %sign3A_955 = arith.extui %sign3A_954 : i1 to i32
      %sign3A_956 = arith.subi %sign3A_952, %sign3A_955 : i32
      %sign3A_957 = arith.constant 0 : i32
      %sign3A_958 = arith.cmpi sgt, %jit3A_948, %sign3A_957 : i32
      %sign3A_959 = arith.extui %sign3A_958 : i1 to i32
      %sign3A_960 = arith.constant 0 : i32
      %sign3A_961 = arith.cmpi slt, %jit3A_948, %sign3A_960 : i32
      %sign3A_962 = arith.extui %sign3A_961 : i1 to i32
      %sign3A_963 = arith.subi %sign3A_959, %sign3A_962 : i32
      %ne3A_964 = arith.cmpi ne, %sign3A_956, %sign3A_963 : i32
      %rem3A_965 = arith.remsi %scan3A_264, %jit3A_948 : i32
      %ne3A_966 = arith.constant 0 : i32
      %ne3A_967 = arith.cmpi ne, %rem3A_965, %ne3A_966 : i32
      %and3A_968 = arith.andi %ne3A_964, %ne3A_967 : i1
      %sub3A_969 = arith.constant 1 : i32
      %sub3A_970 = arith.subi %div3A_949, %sub3A_969 : i32
      %select_n3A_971 = arith.select %and3A_968, %sub3A_970, %div3A_949 : i32
      %add3A_972 = arith.constant 80 : i32
      %add3A_973 = arith.addi %add3A_972, %select_n3A_971 : i32
      %jit3A_974 = arith.constant 8 : i32
      %eq3A_975 = arith.constant 0 : i32
      %eq3A_976 = arith.cmpi eq, %jit3A_974, %eq3A_975 : i32
      %jit3A_977 = arith.constant 1 : i32
      %select_n3A_978 = arith.select %eq3A_976, %jit3A_977, %jit3A_974 : i32
      %rem3A_979 = arith.remsi %scan3A_264, %select_n3A_978 : i32
      %ne3A_980 = arith.constant 0 : i32
      %ne3A_981 = arith.cmpi ne, %rem3A_979, %ne3A_980 : i32
      %lt3A_982 = arith.constant 0 : i32
      %lt3A_983 = arith.cmpi slt, %rem3A_979, %lt3A_982 : i32
      %lt3A_984 = arith.constant 0 : i32
      %lt3A_985 = arith.cmpi slt, %select_n3A_978, %lt3A_984 : i32
      %ne3A_986 = arith.xori %lt3A_983, %lt3A_985 : i1
      %and3A_987 = arith.andi %ne3A_986, %ne3A_981 : i1
      %add3A_988 = arith.addi %rem3A_979, %select_n3A_978 : i32
      %select_n3A_989 = arith.select %and3A_987, %add3A_988, %rem3A_979 : i32
      %mul3A_990 = arith.constant 16 : i32
      %mul3A_991 = arith.muli %select_n3A_989, %mul3A_990 : i32
      %swap3A_992 = arith.index_cast %add3A_973 : i32 to index
      %swap3A_993 = arith.index_cast %mul3A_991 : i32 to index
      %swap3A_994 = tpu.vector_load %arg12[%swap3A_992, %swap3A_993] {strides = array<i32>} : memref<128x128xf32, #tpu.memory_space<vmem>>, vector<16xf32>,
      tpu.vector_store %arg12[%swap3A_992, %swap3A_993], %add3A_947 {strides = array<i32>} : memref<128x128xf32, #tpu.memory_space<vmem>>, vector<16xf32>,
      %add3A_995 = arith.constant 8448 : i32
      %add3A_996 = vector.broadcast %add3A_995 : i32 to vector<16xi32>
      %add3A_997 = arith.addi %add3A_284, %add3A_996 : vector<16xi32>
      %swap3A_998 = arith.index_cast %add3A_973 : i32 to index
      %swap3A_999 = arith.index_cast %mul3A_991 : i32 to index
      %swap3A_1000 = tpu.vector_load %arg11[%swap3A_998, %swap3A_999] {strides = array<i32>} : memref<128x128xi32, #tpu.memory_space<vmem>>, vector<16xi32>,
      tpu.vector_store %arg11[%swap3A_998, %swap3A_999], %add3A_997 {strides = array<i32>} : memref<128x128xi32, #tpu.memory_space<vmem>>, vector<16xi32>,
      %mul3A_1001 = vector.broadcast %squeeze3A_175 : f32 to vector<16xf32>
      %mul3A_1002 = arith.mulf %abs3A, %mul3A_1001 : vector<16xf32>
      %mul3A_1003 = vector.broadcast %squeeze3A_177 : f32 to vector<16xf32>
      %mul3A_1004 = arith.mulf %abs3A_293, %mul3A_1003 : vector<16xf32>
      %add3A_1005 = arith.addf %mul3A_1002, %mul3A_1004 : vector<16xf32>
      %mul3A_1006 = vector.broadcast %squeeze3A_179 : f32 to vector<16xf32>
      %mul3A_1007 = arith.mulf %abs3A_299, %mul3A_1006 : vector<16xf32>
      %add3A_1008 = arith.addf %add3A_1005, %mul3A_1007 : vector<16xf32>
      %mul3A_1009 = vector.broadcast %squeeze3A_181 : f32 to vector<16xf32>
      %mul3A_1010 = arith.mulf %abs3A_305, %mul3A_1009 : vector<16xf32>
      %add3A_1011 = arith.addf %add3A_1008, %mul3A_1010 : vector<16xf32>
      %jit3A_1012 = arith.constant 8 : i32
      %div3A_1013 = arith.divsi %scan3A_264, %jit3A_1012 : i32
      %sign3A_1014 = arith.constant 0 : i32
      %sign3A_1015 = arith.cmpi sgt, %scan3A_264, %sign3A_1014 : i32
      %sign3A_1016 = arith.extui %sign3A_1015 : i1 to i32
      %sign3A_1017 = arith.constant 0 : i32
      %sign3A_1018 = arith.cmpi slt, %scan3A_264, %sign3A_1017 : i32
      %sign3A_1019 = arith.extui %sign3A_1018 : i1 to i32
      %sign3A_1020 = arith.subi %sign3A_1016, %sign3A_1019 : i32
      %sign3A_1021 = arith.constant 0 : i32
      %sign3A_1022 = arith.cmpi sgt, %jit3A_1012, %sign3A_1021 : i32
      %sign3A_1023 = arith.extui %sign3A_1022 : i1 to i32
      %sign3A_1024 = arith.constant 0 : i32
      %sign3A_1025 = arith.cmpi slt, %jit3A_1012, %sign3A_1024 : i32
      %sign3A_1026 = arith.extui %sign3A_1025 : i1 to i32
      %sign3A_1027 = arith.subi %sign3A_1023, %sign3A_1026 : i32
      %ne3A_1028 = arith.cmpi ne, %sign3A_1020, %sign3A_1027 : i32
      %rem3A_1029 = arith.remsi %scan3A_264, %jit3A_1012 : i32
      %ne3A_1030 = arith.constant 0 : i32
      %ne3A_1031 = arith.cmpi ne, %rem3A_1029, %ne3A_1030 : i32
      %and3A_1032 = arith.andi %ne3A_1028, %ne3A_1031 : i1
      %sub3A_1033 = arith.constant 1 : i32
      %sub3A_1034 = arith.subi %div3A_1013, %sub3A_1033 : i32
      %select_n3A_1035 = arith.select %and3A_1032, %sub3A_1034, %div3A_1013 : i32
      %add3A_1036 = arith.constant 88 : i32
      %add3A_1037 = arith.addi %add3A_1036, %select_n3A_1035 : i32
      %jit3A_1038 = arith.constant 8 : i32
      %eq3A_1039 = arith.constant 0 : i32
      %eq3A_1040 = arith.cmpi eq, %jit3A_1038, %eq3A_1039 : i32
      %jit3A_1041 = arith.constant 1 : i32
      %select_n3A_1042 = arith.select %eq3A_1040, %jit3A_1041, %jit3A_1038 : i32
      %rem3A_1043 = arith.remsi %scan3A_264, %select_n3A_1042 : i32
      %ne3A_1044 = arith.constant 0 : i32
      %ne3A_1045 = arith.cmpi ne, %rem3A_1043, %ne3A_1044 : i32
      %lt3A_1046 = arith.constant 0 : i32
      %lt3A_1047 = arith.cmpi slt, %rem3A_1043, %lt3A_1046 : i32
      %lt3A_1048 = arith.constant 0 : i32
      %lt3A_1049 = arith.cmpi slt, %select_n3A_1042, %lt3A_1048 : i32
      %ne3A_1050 = arith.xori %lt3A_1047, %lt3A_1049 : i1
      %and3A_1051 = arith.andi %ne3A_1050, %ne3A_1045 : i1
      %add3A_1052 = arith.addi %rem3A_1043, %select_n3A_1042 : i32
      %select_n3A_1053 = arith.select %and3A_1051, %add3A_1052, %rem3A_1043 : i32
      %mul3A_1054 = arith.constant 16 : i32
      %mul3A_1055 = arith.muli %select_n3A_1053, %mul3A_1054 : i32
      %swap3A_1056 = arith.index_cast %add3A_1037 : i32 to index
      %swap3A_1057 = arith.index_cast %mul3A_1055 : i32 to index
      %swap3A_1058 = tpu.vector_load %arg12[%swap3A_1056, %swap3A_1057] {strides = array<i32>} : memref<128x128xf32, #tpu.memory_space<vmem>>, vector<16xf32>,
      tpu.vector_store %arg12[%swap3A_1056, %swap3A_1057], %add3A_1011 {strides = array<i32>} : memref<128x128xf32, #tpu.memory_space<vmem>>, vector<16xf32>,
      %add3A_1059 = arith.constant 8576 : i32
      %add3A_1060 = vector.broadcast %add3A_1059 : i32 to vector<16xi32>
      %add3A_1061 = arith.addi %add3A_284, %add3A_1060 : vector<16xi32>
      %swap3A_1062 = arith.index_cast %add3A_1037 : i32 to index
      %swap3A_1063 = arith.index_cast %mul3A_1055 : i32 to index
      %swap3A_1064 = tpu.vector_load %arg11[%swap3A_1062, %swap3A_1063] {strides = array<i32>} : memref<128x128xi32, #tpu.memory_space<vmem>>, vector<16xi32>,
      tpu.vector_store %arg11[%swap3A_1062, %swap3A_1063], %add3A_1061 {strides = array<i32>} : memref<128x128xi32, #tpu.memory_space<vmem>>, vector<16xi32>,
      %mul3A_1065 = vector.broadcast %squeeze3A_183 : f32 to vector<16xf32>
      %mul3A_1066 = arith.mulf %abs3A, %mul3A_1065 : vector<16xf32>
      %mul3A_1067 = vector.broadcast %squeeze3A_185 : f32 to vector<16xf32>
      %mul3A_1068 = arith.mulf %abs3A_293, %mul3A_1067 : vector<16xf32>
      %add3A_1069 = arith.addf %mul3A_1066, %mul3A_1068 : vector<16xf32>
      %mul3A_1070 = vector.broadcast %squeeze3A_187 : f32 to vector<16xf32>
      %mul3A_1071 = arith.mulf %abs3A_299, %mul3A_1070 : vector<16xf32>
      %add3A_1072 = arith.addf %add3A_1069, %mul3A_1071 : vector<16xf32>
      %mul3A_1073 = vector.broadcast %squeeze3A_189 : f32 to vector<16xf32>
      %mul3A_1074 = arith.mulf %abs3A_305, %mul3A_1073 : vector<16xf32>
      %add3A_1075 = arith.addf %add3A_1072, %mul3A_1074 : vector<16xf32>
      %jit3A_1076 = arith.constant 8 : i32
      %div3A_1077 = arith.divsi %scan3A_264, %jit3A_1076 : i32
      %sign3A_1078 = arith.constant 0 : i32
      %sign3A_1079 = arith.cmpi sgt, %scan3A_264, %sign3A_1078 : i32
      %sign3A_1080 = arith.extui %sign3A_1079 : i1 to i32
      %sign3A_1081 = arith.constant 0 : i32
      %sign3A_1082 = arith.cmpi slt, %scan3A_264, %sign3A_1081 : i32
      %sign3A_1083 = arith.extui %sign3A_1082 : i1 to i32
      %sign3A_1084 = arith.subi %sign3A_1080, %sign3A_1083 : i32
      %sign3A_1085 = arith.constant 0 : i32
      %sign3A_1086 = arith.cmpi sgt, %jit3A_1076, %sign3A_1085 : i32
      %sign3A_1087 = arith.extui %sign3A_1086 : i1 to i32
      %sign3A_1088 = arith.constant 0 : i32
      %sign3A_1089 = arith.cmpi slt, %jit3A_1076, %sign3A_1088 : i32
      %sign3A_1090 = arith.extui %sign3A_1089 : i1 to i32
      %sign3A_1091 = arith.subi %sign3A_1087, %sign3A_1090 : i32
      %ne3A_1092 = arith.cmpi ne, %sign3A_1084, %sign3A_1091 : i32
      %rem3A_1093 = arith.remsi %scan3A_264, %jit3A_1076 : i32
      %ne3A_1094 = arith.constant 0 : i32
      %ne3A_1095 = arith.cmpi ne, %rem3A_1093, %ne3A_1094 : i32
      %and3A_1096 = arith.andi %ne3A_1092, %ne3A_1095 : i1
      %sub3A_1097 = arith.constant 1 : i32
      %sub3A_1098 = arith.subi %div3A_1077, %sub3A_1097 : i32
      %select_n3A_1099 = arith.select %and3A_1096, %sub3A_1098, %div3A_1077 : i32
      %add3A_1100 = arith.constant 96 : i32
      %add3A_1101 = arith.addi %add3A_1100, %select_n3A_1099 : i32
      %jit3A_1102 = arith.constant 8 : i32
      %eq3A_1103 = arith.constant 0 : i32
      %eq3A_1104 = arith.cmpi eq, %jit3A_1102, %eq3A_1103 : i32
      %jit3A_1105 = arith.constant 1 : i32
      %select_n3A_1106 = arith.select %eq3A_1104, %jit3A_1105, %jit3A_1102 : i32
      %rem3A_1107 = arith.remsi %scan3A_264, %select_n3A_1106 : i32
      %ne3A_1108 = arith.constant 0 : i32
      %ne3A_1109 = arith.cmpi ne, %rem3A_1107, %ne3A_1108 : i32
      %lt3A_1110 = arith.constant 0 : i32
      %lt3A_1111 = arith.cmpi slt, %rem3A_1107, %lt3A_1110 : i32
      %lt3A_1112 = arith.constant 0 : i32
      %lt3A_1113 = arith.cmpi slt, %select_n3A_1106, %lt3A_1112 : i32
      %ne3A_1114 = arith.xori %lt3A_1111, %lt3A_1113 : i1
      %and3A_1115 = arith.andi %ne3A_1114, %ne3A_1109 : i1
      %add3A_1116 = arith.addi %rem3A_1107, %select_n3A_1106 : i32
      %select_n3A_1117 = arith.select %and3A_1115, %add3A_1116, %rem3A_1107 : i32
      %mul3A_1118 = arith.constant 16 : i32
      %mul3A_1119 = arith.muli %select_n3A_1117, %mul3A_1118 : i32
      %swap3A_1120 = arith.index_cast %add3A_1101 : i32 to index
      %swap3A_1121 = arith.index_cast %mul3A_1119 : i32 to index
      %swap3A_1122 = tpu.vector_load %arg12[%swap3A_1120, %swap3A_1121] {strides = array<i32>} : memref<128x128xf32, #tpu.memory_space<vmem>>, vector<16xf32>,
      tpu.vector_store %arg12[%swap3A_1120, %swap3A_1121], %add3A_1075 {strides = array<i32>} : memref<128x128xf32, #tpu.memory_space<vmem>>, vector<16xf32>,
      %add3A_1123 = arith.constant 12288 : i32
      %add3A_1124 = vector.broadcast %add3A_1123 : i32 to vector<16xi32>
      %add3A_1125 = arith.addi %add3A_284, %add3A_1124 : vector<16xi32>
      %swap3A_1126 = arith.index_cast %add3A_1101 : i32 to index
      %swap3A_1127 = arith.index_cast %mul3A_1119 : i32 to index
      %swap3A_1128 = tpu.vector_load %arg11[%swap3A_1126, %swap3A_1127] {strides = array<i32>} : memref<128x128xi32, #tpu.memory_space<vmem>>, vector<16xi32>,
      tpu.vector_store %arg11[%swap3A_1126, %swap3A_1127], %add3A_1125 {strides = array<i32>} : memref<128x128xi32, #tpu.memory_space<vmem>>, vector<16xi32>,
      %mul3A_1129 = vector.broadcast %squeeze3A_191 : f32 to vector<16xf32>
      %mul3A_1130 = arith.mulf %abs3A, %mul3A_1129 : vector<16xf32>
      %mul3A_1131 = vector.broadcast %squeeze3A_193 : f32 to vector<16xf32>
      %mul3A_1132 = arith.mulf %abs3A_293, %mul3A_1131 : vector<16xf32>
      %add3A_1133 = arith.addf %mul3A_1130, %mul3A_1132 : vector<16xf32>
      %mul3A_1134 = vector.broadcast %squeeze3A_195 : f32 to vector<16xf32>
      %mul3A_1135 = arith.mulf %abs3A_299, %mul3A_1134 : vector<16xf32>
      %add3A_1136 = arith.addf %add3A_1133, %mul3A_1135 : vector<16xf32>
      %mul3A_1137 = vector.broadcast %squeeze3A_197 : f32 to vector<16xf32>
      %mul3A_1138 = arith.mulf %abs3A_305, %mul3A_1137 : vector<16xf32>
      %add3A_1139 = arith.addf %add3A_1136, %mul3A_1138 : vector<16xf32>
      %jit3A_1140 = arith.constant 8 : i32
      %div3A_1141 = arith.divsi %scan3A_264, %jit3A_1140 : i32
      %sign3A_1142 = arith.constant 0 : i32
      %sign3A_1143 = arith.cmpi sgt, %scan3A_264, %sign3A_1142 : i32
      %sign3A_1144 = arith.extui %sign3A_1143 : i1 to i32
      %sign3A_1145 = arith.constant 0 : i32
      %sign3A_1146 = arith.cmpi slt, %scan3A_264, %sign3A_1145 : i32
      %sign3A_1147 = arith.extui %sign3A_1146 : i1 to i32
      %sign3A_1148 = arith.subi %sign3A_1144, %sign3A_1147 : i32
      %sign3A_1149 = arith.constant 0 : i32
      %sign3A_1150 = arith.cmpi sgt, %jit3A_1140, %sign3A_1149 : i32
      %sign3A_1151 = arith.extui %sign3A_1150 : i1 to i32
      %sign3A_1152 = arith.constant 0 : i32
      %sign3A_1153 = arith.cmpi slt, %jit3A_1140, %sign3A_1152 : i32
      %sign3A_1154 = arith.extui %sign3A_1153 : i1 to i32
      %sign3A_1155 = arith.subi %sign3A_1151, %sign3A_1154 : i32
      %ne3A_1156 = arith.cmpi ne, %sign3A_1148, %sign3A_1155 : i32
      %rem3A_1157 = arith.remsi %scan3A_264, %jit3A_1140 : i32
      %ne3A_1158 = arith.constant 0 : i32
      %ne3A_1159 = arith.cmpi ne, %rem3A_1157, %ne3A_1158 : i32
      %and3A_1160 = arith.andi %ne3A_1156, %ne3A_1159 : i1
      %sub3A_1161 = arith.constant 1 : i32
      %sub3A_1162 = arith.subi %div3A_1141, %sub3A_1161 : i32
      %select_n3A_1163 = arith.select %and3A_1160, %sub3A_1162, %div3A_1141 : i32
      %add3A_1164 = arith.constant 104 : i32
      %add3A_1165 = arith.addi %add3A_1164, %select_n3A_1163 : i32
      %jit3A_1166 = arith.constant 8 : i32
      %eq3A_1167 = arith.constant 0 : i32
      %eq3A_1168 = arith.cmpi eq, %jit3A_1166, %eq3A_1167 : i32
      %jit3A_1169 = arith.constant 1 : i32
      %select_n3A_1170 = arith.select %eq3A_1168, %jit3A_1169, %jit3A_1166 : i32
      %rem3A_1171 = arith.remsi %scan3A_264, %select_n3A_1170 : i32
      %ne3A_1172 = arith.constant 0 : i32
      %ne3A_1173 = arith.cmpi ne, %rem3A_1171, %ne3A_1172 : i32
      %lt3A_1174 = arith.constant 0 : i32
      %lt3A_1175 = arith.cmpi slt, %rem3A_1171, %lt3A_1174 : i32
      %lt3A_1176 = arith.constant 0 : i32
      %lt3A_1177 = arith.cmpi slt, %select_n3A_1170, %lt3A_1176 : i32
      %ne3A_1178 = arith.xori %lt3A_1175, %lt3A_1177 : i1
      %and3A_1179 = arith.andi %ne3A_1178, %ne3A_1173 : i1
      %add3A_1180 = arith.addi %rem3A_1171, %select_n3A_1170 : i32
      %select_n3A_1181 = arith.select %and3A_1179, %add3A_1180, %rem3A_1171 : i32
      %mul3A_1182 = arith.constant 16 : i32
      %mul3A_1183 = arith.muli %select_n3A_1181, %mul3A_1182 : i32
      %swap3A_1184 = arith.index_cast %add3A_1165 : i32 to index
      %swap3A_1185 = arith.index_cast %mul3A_1183 : i32 to index
      %swap3A_1186 = tpu.vector_load %arg12[%swap3A_1184, %swap3A_1185] {strides = array<i32>} : memref<128x128xf32, #tpu.memory_space<vmem>>, vector<16xf32>,
      tpu.vector_store %arg12[%swap3A_1184, %swap3A_1185], %add3A_1139 {strides = array<i32>} : memref<128x128xf32, #tpu.memory_space<vmem>>, vector<16xf32>,
      %add3A_1187 = arith.constant 12416 : i32
      %add3A_1188 = vector.broadcast %add3A_1187 : i32 to vector<16xi32>
      %add3A_1189 = arith.addi %add3A_284, %add3A_1188 : vector<16xi32>
      %swap3A_1190 = arith.index_cast %add3A_1165 : i32 to index
      %swap3A_1191 = arith.index_cast %mul3A_1183 : i32 to index
      %swap3A_1192 = tpu.vector_load %arg11[%swap3A_1190, %swap3A_1191] {strides = array<i32>} : memref<128x128xi32, #tpu.memory_space<vmem>>, vector<16xi32>,
      tpu.vector_store %arg11[%swap3A_1190, %swap3A_1191], %add3A_1189 {strides = array<i32>} : memref<128x128xi32, #tpu.memory_space<vmem>>, vector<16xi32>,
      %mul3A_1193 = vector.broadcast %squeeze3A_199 : f32 to vector<16xf32>
      %mul3A_1194 = arith.mulf %abs3A, %mul3A_1193 : vector<16xf32>
      %mul3A_1195 = vector.broadcast %squeeze3A_201 : f32 to vector<16xf32>
      %mul3A_1196 = arith.mulf %abs3A_293, %mul3A_1195 : vector<16xf32>
      %add3A_1197 = arith.addf %mul3A_1194, %mul3A_1196 : vector<16xf32>
      %mul3A_1198 = vector.broadcast %squeeze3A_203 : f32 to vector<16xf32>
      %mul3A_1199 = arith.mulf %abs3A_299, %mul3A_1198 : vector<16xf32>
      %add3A_1200 = arith.addf %add3A_1197, %mul3A_1199 : vector<16xf32>
      %mul3A_1201 = vector.broadcast %squeeze3A_205 : f32 to vector<16xf32>
      %mul3A_1202 = arith.mulf %abs3A_305, %mul3A_1201 : vector<16xf32>
      %add3A_1203 = arith.addf %add3A_1200, %mul3A_1202 : vector<16xf32>
      %jit3A_1204 = arith.constant 8 : i32
      %div3A_1205 = arith.divsi %scan3A_264, %jit3A_1204 : i32
      %sign3A_1206 = arith.constant 0 : i32
      %sign3A_1207 = arith.cmpi sgt, %scan3A_264, %sign3A_1206 : i32
      %sign3A_1208 = arith.extui %sign3A_1207 : i1 to i32
      %sign3A_1209 = arith.constant 0 : i32
      %sign3A_1210 = arith.cmpi slt, %scan3A_264, %sign3A_1209 : i32
      %sign3A_1211 = arith.extui %sign3A_1210 : i1 to i32
      %sign3A_1212 = arith.subi %sign3A_1208, %sign3A_1211 : i32
      %sign3A_1213 = arith.constant 0 : i32
      %sign3A_1214 = arith.cmpi sgt, %jit3A_1204, %sign3A_1213 : i32
      %sign3A_1215 = arith.extui %sign3A_1214 : i1 to i32
      %sign3A_1216 = arith.constant 0 : i32
      %sign3A_1217 = arith.cmpi slt, %jit3A_1204, %sign3A_1216 : i32
      %sign3A_1218 = arith.extui %sign3A_1217 : i1 to i32
      %sign3A_1219 = arith.subi %sign3A_1215, %sign3A_1218 : i32
      %ne3A_1220 = arith.cmpi ne, %sign3A_1212, %sign3A_1219 : i32
      %rem3A_1221 = arith.remsi %scan3A_264, %jit3A_1204 : i32
      %ne3A_1222 = arith.constant 0 : i32
      %ne3A_1223 = arith.cmpi ne, %rem3A_1221, %ne3A_1222 : i32
      %and3A_1224 = arith.andi %ne3A_1220, %ne3A_1223 : i1
      %sub3A_1225 = arith.constant 1 : i32
      %sub3A_1226 = arith.subi %div3A_1205, %sub3A_1225 : i32
      %select_n3A_1227 = arith.select %and3A_1224, %sub3A_1226, %div3A_1205 : i32
      %add3A_1228 = arith.constant 112 : i32
      %add3A_1229 = arith.addi %add3A_1228, %select_n3A_1227 : i32
      %jit3A_1230 = arith.constant 8 : i32
      %eq3A_1231 = arith.constant 0 : i32
      %eq3A_1232 = arith.cmpi eq, %jit3A_1230, %eq3A_1231 : i32
      %jit3A_1233 = arith.constant 1 : i32
      %select_n3A_1234 = arith.select %eq3A_1232, %jit3A_1233, %jit3A_1230 : i32
      %rem3A_1235 = arith.remsi %scan3A_264, %select_n3A_1234 : i32
      %ne3A_1236 = arith.constant 0 : i32
      %ne3A_1237 = arith.cmpi ne, %rem3A_1235, %ne3A_1236 : i32
      %lt3A_1238 = arith.constant 0 : i32
      %lt3A_1239 = arith.cmpi slt, %rem3A_1235, %lt3A_1238 : i32
      %lt3A_1240 = arith.constant 0 : i32
      %lt3A_1241 = arith.cmpi slt, %select_n3A_1234, %lt3A_1240 : i32
      %ne3A_1242 = arith.xori %lt3A_1239, %lt3A_1241 : i1
      %and3A_1243 = arith.andi %ne3A_1242, %ne3A_1237 : i1
      %add3A_1244 = arith.addi %rem3A_1235, %select_n3A_1234 : i32
      %select_n3A_1245 = arith.select %and3A_1243, %add3A_1244, %rem3A_1235 : i32
      %mul3A_1246 = arith.constant 16 : i32
      %mul3A_1247 = arith.muli %select_n3A_1245, %mul3A_1246 : i32
      %swap3A_1248 = arith.index_cast %add3A_1229 : i32 to index
      %swap3A_1249 = arith.index_cast %mul3A_1247 : i32 to index
      %swap3A_1250 = tpu.vector_load %arg12[%swap3A_1248, %swap3A_1249] {strides = array<i32>} : memref<128x128xf32, #tpu.memory_space<vmem>>, vector<16xf32>,
      tpu.vector_store %arg12[%swap3A_1248, %swap3A_1249], %add3A_1203 {strides = array<i32>} : memref<128x128xf32, #tpu.memory_space<vmem>>, vector<16xf32>,
      %add3A_1251 = arith.constant 12544 : i32
      %add3A_1252 = vector.broadcast %add3A_1251 : i32 to vector<16xi32>
      %add3A_1253 = arith.addi %add3A_284, %add3A_1252 : vector<16xi32>
      %swap3A_1254 = arith.index_cast %add3A_1229 : i32 to index
      %swap3A_1255 = arith.index_cast %mul3A_1247 : i32 to index
      %swap3A_1256 = tpu.vector_load %arg11[%swap3A_1254, %swap3A_1255] {strides = array<i32>} : memref<128x128xi32, #tpu.memory_space<vmem>>, vector<16xi32>,
      tpu.vector_store %arg11[%swap3A_1254, %swap3A_1255], %add3A_1253 {strides = array<i32>} : memref<128x128xi32, #tpu.memory_space<vmem>>, vector<16xi32>,
      %mul3A_1257 = vector.broadcast %squeeze3A_207 : f32 to vector<16xf32>
      %mul3A_1258 = arith.mulf %abs3A, %mul3A_1257 : vector<16xf32>
      %mul3A_1259 = vector.broadcast %squeeze3A_209 : f32 to vector<16xf32>
      %mul3A_1260 = arith.mulf %abs3A_293, %mul3A_1259 : vector<16xf32>
      %add3A_1261 = arith.addf %mul3A_1258, %mul3A_1260 : vector<16xf32>
      %mul3A_1262 = vector.broadcast %squeeze3A_211 : f32 to vector<16xf32>
      %mul3A_1263 = arith.mulf %abs3A_299, %mul3A_1262 : vector<16xf32>
      %add3A_1264 = arith.addf %add3A_1261, %mul3A_1263 : vector<16xf32>
      %mul3A_1265 = vector.broadcast %squeeze3A_213 : f32 to vector<16xf32>
      %mul3A_1266 = arith.mulf %abs3A_305, %mul3A_1265 : vector<16xf32>
      %add3A_1267 = arith.addf %add3A_1264, %mul3A_1266 : vector<16xf32>
      %jit3A_1268 = arith.constant 8 : i32
      %div3A_1269 = arith.divsi %scan3A_264, %jit3A_1268 : i32
      %sign3A_1270 = arith.constant 0 : i32
      %sign3A_1271 = arith.cmpi sgt, %scan3A_264, %sign3A_1270 : i32
      %sign3A_1272 = arith.extui %sign3A_1271 : i1 to i32
      %sign3A_1273 = arith.constant 0 : i32
      %sign3A_1274 = arith.cmpi slt, %scan3A_264, %sign3A_1273 : i32
      %sign3A_1275 = arith.extui %sign3A_1274 : i1 to i32
      %sign3A_1276 = arith.subi %sign3A_1272, %sign3A_1275 : i32
      %sign3A_1277 = arith.constant 0 : i32
      %sign3A_1278 = arith.cmpi sgt, %jit3A_1268, %sign3A_1277 : i32
      %sign3A_1279 = arith.extui %sign3A_1278 : i1 to i32
      %sign3A_1280 = arith.constant 0 : i32
      %sign3A_1281 = arith.cmpi slt, %jit3A_1268, %sign3A_1280 : i32
      %sign3A_1282 = arith.extui %sign3A_1281 : i1 to i32
      %sign3A_1283 = arith.subi %sign3A_1279, %sign3A_1282 : i32
      %ne3A_1284 = arith.cmpi ne, %sign3A_1276, %sign3A_1283 : i32
      %rem3A_1285 = arith.remsi %scan3A_264, %jit3A_1268 : i32
      %ne3A_1286 = arith.constant 0 : i32
      %ne3A_1287 = arith.cmpi ne, %rem3A_1285, %ne3A_1286 : i32
      %and3A_1288 = arith.andi %ne3A_1284, %ne3A_1287 : i1
      %sub3A_1289 = arith.constant 1 : i32
      %sub3A_1290 = arith.subi %div3A_1269, %sub3A_1289 : i32
      %select_n3A_1291 = arith.select %and3A_1288, %sub3A_1290, %div3A_1269 : i32
      %add3A_1292 = arith.constant 120 : i32
      %add3A_1293 = arith.addi %add3A_1292, %select_n3A_1291 : i32
      %jit3A_1294 = arith.constant 8 : i32
      %eq3A_1295 = arith.constant 0 : i32
      %eq3A_1296 = arith.cmpi eq, %jit3A_1294, %eq3A_1295 : i32
      %jit3A_1297 = arith.constant 1 : i32
      %select_n3A_1298 = arith.select %eq3A_1296, %jit3A_1297, %jit3A_1294 : i32
      %rem3A_1299 = arith.remsi %scan3A_264, %select_n3A_1298 : i32
      %ne3A_1300 = arith.constant 0 : i32
      %ne3A_1301 = arith.cmpi ne, %rem3A_1299, %ne3A_1300 : i32
      %lt3A_1302 = arith.constant 0 : i32
      %lt3A_1303 = arith.cmpi slt, %rem3A_1299, %lt3A_1302 : i32
      %lt3A_1304 = arith.constant 0 : i32
      %lt3A_1305 = arith.cmpi slt, %select_n3A_1298, %lt3A_1304 : i32
      %ne3A_1306 = arith.xori %lt3A_1303, %lt3A_1305 : i1
      %and3A_1307 = arith.andi %ne3A_1306, %ne3A_1301 : i1
      %add3A_1308 = arith.addi %rem3A_1299, %select_n3A_1298 : i32
      %select_n3A_1309 = arith.select %and3A_1307, %add3A_1308, %rem3A_1299 : i32
      %mul3A_1310 = arith.constant 16 : i32
      %mul3A_1311 = arith.muli %select_n3A_1309, %mul3A_1310 : i32
      %swap3A_1312 = arith.index_cast %add3A_1293 : i32 to index
      %swap3A_1313 = arith.index_cast %mul3A_1311 : i32 to index
      %swap3A_1314 = tpu.vector_load %arg12[%swap3A_1312, %swap3A_1313] {strides = array<i32>} : memref<128x128xf32, #tpu.memory_space<vmem>>, vector<16xf32>,
      tpu.vector_store %arg12[%swap3A_1312, %swap3A_1313], %add3A_1267 {strides = array<i32>} : memref<128x128xf32, #tpu.memory_space<vmem>>, vector<16xf32>,
      %add3A_1315 = arith.constant 12672 : i32
      %add3A_1316 = vector.broadcast %add3A_1315 : i32 to vector<16xi32>
      %add3A_1317 = arith.addi %add3A_284, %add3A_1316 : vector<16xi32>
      %swap3A_1318 = arith.index_cast %add3A_1293 : i32 to index
      %swap3A_1319 = arith.index_cast %mul3A_1311 : i32 to index
      %swap3A_1320 = tpu.vector_load %arg11[%swap3A_1318, %swap3A_1319] {strides = array<i32>} : memref<128x128xi32, #tpu.memory_space<vmem>>, vector<16xi32>,
      tpu.vector_store %arg11[%swap3A_1318, %swap3A_1319], %add3A_1317 {strides = array<i32>} : memref<128x128xi32, #tpu.memory_space<vmem>>, vector<16xi32>,
    }
    %scan3A_219 = arith.constant 64 : i32
    %dma_wait3A_220 = tpu.memref_slice %arg6[%add3A_15] : memref<16777216xf32, #tpu.memory_space<hbm>> -> memref<32768xf32, #tpu.memory_space<hbm>>
    %dma_wait3A_221 = tpu.memref_slice %arg6[%add3A_15] : memref<16777216xf32, #tpu.memory_space<hbm>> -> memref<32768xf32, #tpu.memory_space<hbm>>
    tpu.wait_dma2 semaphore(%arg15 : memref<!tpu.dma_semaphore, #tpu.memory_space<semaphore_mem>>) src(%arg13 : memref<32768xf32, #tpu.memory_space<vmem>>) dst(%dma_wait3A_221 : memref<32768xf32, #tpu.memory_space<hbm>>)
    %dma_wait3A_222 = tpu.memref_slice %arg6[%add3A_19] : memref<16777216xf32, #tpu.memory_space<hbm>> -> memref<32768xf32, #tpu.memory_space<hbm>>
    %dma_wait3A_223 = tpu.memref_slice %arg6[%add3A_19] : memref<16777216xf32, #tpu.memory_space<hbm>> -> memref<32768xf32, #tpu.memory_space<hbm>>
    tpu.wait_dma2 semaphore(%arg15 : memref<!tpu.dma_semaphore, #tpu.memory_space<semaphore_mem>>) src(%arg13 : memref<32768xf32, #tpu.memory_space<vmem>>) dst(%dma_wait3A_223 : memref<32768xf32, #tpu.memory_space<hbm>>)
    %dma_wait3A_224 = tpu.memref_slice %arg6[%add3A_23] : memref<16777216xf32, #tpu.memory_space<hbm>> -> memref<32768xf32, #tpu.memory_space<hbm>>
    %dma_wait3A_225 = tpu.memref_slice %arg6[%add3A_23] : memref<16777216xf32, #tpu.memory_space<hbm>> -> memref<32768xf32, #tpu.memory_space<hbm>>
    tpu.wait_dma2 semaphore(%arg15 : memref<!tpu.dma_semaphore, #tpu.memory_space<semaphore_mem>>) src(%arg13 : memref<32768xf32, #tpu.memory_space<vmem>>) dst(%dma_wait3A_225 : memref<32768xf32, #tpu.memory_space<hbm>>)
    %dma_wait3A_226 = tpu.memref_slice %arg6[%add3A_27] : memref<16777216xf32, #tpu.memory_space<hbm>> -> memref<32768xf32, #tpu.memory_space<hbm>>
    %dma_wait3A_227 = tpu.memref_slice %arg6[%add3A_27] : memref<16777216xf32, #tpu.memory_space<hbm>> -> memref<32768xf32, #tpu.memory_space<hbm>>
    tpu.wait_dma2 semaphore(%arg15 : memref<!tpu.dma_semaphore, #tpu.memory_space<semaphore_mem>>) src(%arg13 : memref<32768xf32, #tpu.memory_space<vmem>>) dst(%dma_wait3A_227 : memref<32768xf32, #tpu.memory_space<hbm>>)
    %dma_wait3A_228 = tpu.memref_slice %arg6[%add3A_31] : memref<16777216xf32, #tpu.memory_space<hbm>> -> memref<32768xf32, #tpu.memory_space<hbm>>
    %dma_wait3A_229 = tpu.memref_slice %arg6[%add3A_31] : memref<16777216xf32, #tpu.memory_space<hbm>> -> memref<32768xf32, #tpu.memory_space<hbm>>
    tpu.wait_dma2 semaphore(%arg15 : memref<!tpu.dma_semaphore, #tpu.memory_space<semaphore_mem>>) src(%arg13 : memref<32768xf32, #tpu.memory_space<vmem>>) dst(%dma_wait3A_229 : memref<32768xf32, #tpu.memory_space<hbm>>)
    %dma_wait3A_230 = tpu.memref_slice %arg6[%add3A_35] : memref<16777216xf32, #tpu.memory_space<hbm>> -> memref<32768xf32, #tpu.memory_space<hbm>>
    %dma_wait3A_231 = tpu.memref_slice %arg6[%add3A_35] : memref<16777216xf32, #tpu.memory_space<hbm>> -> memref<32768xf32, #tpu.memory_space<hbm>>
    tpu.wait_dma2 semaphore(%arg15 : memref<!tpu.dma_semaphore, #tpu.memory_space<semaphore_mem>>) src(%arg13 : memref<32768xf32, #tpu.memory_space<vmem>>) dst(%dma_wait3A_231 : memref<32768xf32, #tpu.memory_space<hbm>>)
    %dma_wait3A_232 = tpu.memref_slice %arg6[%add3A_39] : memref<16777216xf32, #tpu.memory_space<hbm>> -> memref<32768xf32, #tpu.memory_space<hbm>>
    %dma_wait3A_233 = tpu.memref_slice %arg6[%add3A_39] : memref<16777216xf32, #tpu.memory_space<hbm>> -> memref<32768xf32, #tpu.memory_space<hbm>>
    tpu.wait_dma2 semaphore(%arg15 : memref<!tpu.dma_semaphore, #tpu.memory_space<semaphore_mem>>) src(%arg13 : memref<32768xf32, #tpu.memory_space<vmem>>) dst(%dma_wait3A_233 : memref<32768xf32, #tpu.memory_space<hbm>>)
    %dma_wait3A_234 = tpu.memref_slice %arg6[%add3A_43] : memref<16777216xf32, #tpu.memory_space<hbm>> -> memref<32768xf32, #tpu.memory_space<hbm>>
    %dma_wait3A_235 = tpu.memref_slice %arg6[%add3A_43] : memref<16777216xf32, #tpu.memory_space<hbm>> -> memref<32768xf32, #tpu.memory_space<hbm>>
    tpu.wait_dma2 semaphore(%arg15 : memref<!tpu.dma_semaphore, #tpu.memory_space<semaphore_mem>>) src(%arg13 : memref<32768xf32, #tpu.memory_space<vmem>>) dst(%dma_wait3A_235 : memref<32768xf32, #tpu.memory_space<hbm>>)
    %dma_wait3A_236 = tpu.memref_slice %arg6[%add3A_47] : memref<16777216xf32, #tpu.memory_space<hbm>> -> memref<32768xf32, #tpu.memory_space<hbm>>
    %dma_wait3A_237 = tpu.memref_slice %arg6[%add3A_47] : memref<16777216xf32, #tpu.memory_space<hbm>> -> memref<32768xf32, #tpu.memory_space<hbm>>
    tpu.wait_dma2 semaphore(%arg15 : memref<!tpu.dma_semaphore, #tpu.memory_space<semaphore_mem>>) src(%arg13 : memref<32768xf32, #tpu.memory_space<vmem>>) dst(%dma_wait3A_237 : memref<32768xf32, #tpu.memory_space<hbm>>)
    %dma_wait3A_238 = tpu.memref_slice %arg6[%add3A_51] : memref<16777216xf32, #tpu.memory_space<hbm>> -> memref<32768xf32, #tpu.memory_space<hbm>>
    %dma_wait3A_239 = tpu.memref_slice %arg6[%add3A_51] : memref<16777216xf32, #tpu.memory_space<hbm>> -> memref<32768xf32, #tpu.memory_space<hbm>>
    tpu.wait_dma2 semaphore(%arg15 : memref<!tpu.dma_semaphore, #tpu.memory_space<semaphore_mem>>) src(%arg13 : memref<32768xf32, #tpu.memory_space<vmem>>) dst(%dma_wait3A_239 : memref<32768xf32, #tpu.memory_space<hbm>>)
    %dma_wait3A_240 = tpu.memref_slice %arg6[%add3A_55] : memref<16777216xf32, #tpu.memory_space<hbm>> -> memref<32768xf32, #tpu.memory_space<hbm>>
    %dma_wait3A_241 = tpu.memref_slice %arg6[%add3A_55] : memref<16777216xf32, #tpu.memory_space<hbm>> -> memref<32768xf32, #tpu.memory_space<hbm>>
    tpu.wait_dma2 semaphore(%arg15 : memref<!tpu.dma_semaphore, #tpu.memory_space<semaphore_mem>>) src(%arg13 : memref<32768xf32, #tpu.memory_space<vmem>>) dst(%dma_wait3A_241 : memref<32768xf32, #tpu.memory_space<hbm>>)
    %dma_wait3A_242 = tpu.memref_slice %arg6[%add3A_59] : memref<16777216xf32, #tpu.memory_space<hbm>> -> memref<32768xf32, #tpu.memory_space<hbm>>
    %dma_wait3A_243 = tpu.memref_slice %arg6[%add3A_59] : memref<16777216xf32, #tpu.memory_space<hbm>> -> memref<32768xf32, #tpu.memory_space<hbm>>
    tpu.wait_dma2 semaphore(%arg15 : memref<!tpu.dma_semaphore, #tpu.memory_space<semaphore_mem>>) src(%arg13 : memref<32768xf32, #tpu.memory_space<vmem>>) dst(%dma_wait3A_243 : memref<32768xf32, #tpu.memory_space<hbm>>)
    %dma_wait3A_244 = tpu.memref_slice %arg6[%add3A_63] : memref<16777216xf32, #tpu.memory_space<hbm>> -> memref<32768xf32, #tpu.memory_space<hbm>>
    %dma_wait3A_245 = tpu.memref_slice %arg6[%add3A_63] : memref<16777216xf32, #tpu.memory_space<hbm>> -> memref<32768xf32, #tpu.memory_space<hbm>>
    tpu.wait_dma2 semaphore(%arg15 : memref<!tpu.dma_semaphore, #tpu.memory_space<semaphore_mem>>) src(%arg13 : memref<32768xf32, #tpu.memory_space<vmem>>) dst(%dma_wait3A_245 : memref<32768xf32, #tpu.memory_space<hbm>>)
    %dma_wait3A_246 = tpu.memref_slice %arg6[%add3A_67] : memref<16777216xf32, #tpu.memory_space<hbm>> -> memref<32768xf32, #tpu.memory_space<hbm>>
    %dma_wait3A_247 = tpu.memref_slice %arg6[%add3A_67] : memref<16777216xf32, #tpu.memory_space<hbm>> -> memref<32768xf32, #tpu.memory_space<hbm>>
    tpu.wait_dma2 semaphore(%arg15 : memref<!tpu.dma_semaphore, #tpu.memory_space<semaphore_mem>>) src(%arg13 : memref<32768xf32, #tpu.memory_space<vmem>>) dst(%dma_wait3A_247 : memref<32768xf32, #tpu.memory_space<hbm>>)
    %dma_wait3A_248 = tpu.memref_slice %arg6[%add3A_71] : memref<16777216xf32, #tpu.memory_space<hbm>> -> memref<32768xf32, #tpu.memory_space<hbm>>
    %dma_wait3A_249 = tpu.memref_slice %arg6[%add3A_71] : memref<16777216xf32, #tpu.memory_space<hbm>> -> memref<32768xf32, #tpu.memory_space<hbm>>
    tpu.wait_dma2 semaphore(%arg15 : memref<!tpu.dma_semaphore, #tpu.memory_space<semaphore_mem>>) src(%arg13 : memref<32768xf32, #tpu.memory_space<vmem>>) dst(%dma_wait3A_249 : memref<32768xf32, #tpu.memory_space<hbm>>)
    %dma_wait3A_250 = tpu.memref_slice %arg6[%add3A_75] : memref<16777216xf32, #tpu.memory_space<hbm>> -> memref<32768xf32, #tpu.memory_space<hbm>>
    %dma_wait3A_251 = tpu.memref_slice %arg6[%add3A_75] : memref<16777216xf32, #tpu.memory_space<hbm>> -> memref<32768xf32, #tpu.memory_space<hbm>>
    tpu.wait_dma2 semaphore(%arg15 : memref<!tpu.dma_semaphore, #tpu.memory_space<semaphore_mem>>) src(%arg13 : memref<32768xf32, #tpu.memory_space<vmem>>) dst(%dma_wait3A_251 : memref<32768xf32, #tpu.memory_space<hbm>>)
    %barrier3A = arith.constant 0 : index
    tpu.barrier barrier_id(%barrier3A)
    %scan3A_252 = arith.constant 0 : i32
    %scan3A_253 = arith.constant 0 : i32
    %scan3A_254 = arith.constant 128 : i32
    %scan3A_255 = arith.addi %scan3A_253, %scan3A_254 : i32
    %scan3A_256 = arith.constant 1 : i32
    scf.for %scan3A_264 = %scan3A_253 to %scan3A_255 step %scan3A_256  : i32 {
      %dma_start3A_265 = arith.constant 0 : i32
      %dma_start3A_266 = tpu.memref_slice %arg12[%scan3A_264, %dma_start3A_265] : memref<128x128xf32, #tpu.memory_space<vmem>> -> memref<1x128xf32, #tpu.memory_space<vmem>>
      %dma_start3A_267 = tpu.memref_squeeze %dma_start3A_266 : memref<1x128xf32, #tpu.memory_space<vmem>> -> memref<128xf32, #tpu.memory_space<vmem>>
      %dma_start3A_268 = arith.constant 0 : i32
      %dma_start3A_269 = tpu.memref_slice %arg11[%scan3A_264, %dma_start3A_268] : memref<128x128xi32, #tpu.memory_space<vmem>> -> memref<1x128xi32, #tpu.memory_space<vmem>>
      %dma_start3A_270 = tpu.memref_squeeze %dma_start3A_269 : memref<1x128xi32, #tpu.memory_space<vmem>> -> memref<128xi32, #tpu.memory_space<vmem>>
      %dma_start3A_271 = arith.constant 0 : i32
      %dma_start3A_272 = tpu.memref_slice %arg6[%dma_start3A_271] : memref<16777216xf32, #tpu.memory_space<hbm>> -> memref<16777216xf32, #tpu.memory_space<hbm>>
      tpu.enqueue_indirect_dma source(%dma_start3A_267 : memref<128xf32, #tpu.memory_space<vmem>>) target(%dma_start3A_272 : memref<16777216xf32, #tpu.memory_space<hbm>>) offsets(%dma_start3A_270 : memref<128xi32, #tpu.memory_space<vmem>>) semaphore(%arg16 : memref<!tpu.dma_semaphore, #tpu.memory_space<semaphore_mem>>)
    }
    %scan3A_257 = arith.constant 128 : i32
    %scan3A_258 = arith.constant 0 : i32
    %scan3A_259 = arith.constant 0 : i32
    %scan3A_260 = arith.constant 128 : i32
    %scan3A_261 = arith.addi %scan3A_259, %scan3A_260 : i32
    %scan3A_262 = arith.constant 1 : i32
    scf.for %scan3A_264 = %scan3A_259 to %scan3A_261 step %scan3A_262  : i32 {
      %dma_wait3A_265 = arith.constant 0 : i32
      %dma_wait3A_266 = tpu.memref_slice %arg12[%scan3A_264, %dma_wait3A_265] : memref<128x128xf32, #tpu.memory_space<vmem>> -> memref<1x128xf32, #tpu.memory_space<vmem>>
      %dma_wait3A_267 = tpu.memref_squeeze %dma_wait3A_266 : memref<1x128xf32, #tpu.memory_space<vmem>> -> memref<128xf32, #tpu.memory_space<vmem>>
      %dma_wait3A_268 = arith.constant 0 : i32
      %dma_wait3A_269 = tpu.memref_slice %arg11[%scan3A_264, %dma_wait3A_268] : memref<128x128xi32, #tpu.memory_space<vmem>> -> memref<1x128xi32, #tpu.memory_space<vmem>>
      %dma_wait3A_270 = tpu.memref_squeeze %dma_wait3A_269 : memref<1x128xi32, #tpu.memory_space<vmem>> -> memref<128xi32, #tpu.memory_space<vmem>>
      %dma_wait3A_271 = arith.constant 0 : i32
      %dma_wait3A_272 = tpu.memref_slice %arg6[%dma_wait3A_271] : memref<16777216xf32, #tpu.memory_space<hbm>> -> memref<16777216xf32, #tpu.memory_space<hbm>>
      tpu.wait_indirect_dma semaphore(%arg16 : memref<!tpu.dma_semaphore, #tpu.memory_space<semaphore_mem>>) src(%dma_wait3A_267 : memref<128xf32, #tpu.memory_space<vmem>>) dst(%dma_wait3A_272 : memref<16777216xf32, #tpu.memory_space<hbm>>)
    }
    %scan3A_263 = arith.constant 128 : i32
    return
  }
}

</mosaic_0001>

<sc_bundles>
// kernel: kernel.3.cloned.1.call-start
scs
__scs_entry_jumppad:
0x0: {  	(pc) =	sbr.rel $0x88, $3  }
0x1: {  	(tag) =	ssettag $0x0;
	lr =	simm.s32 $0x1  }
0x2: {  	[smem:$0x3F9E] =	sst lr;
	_ =	strace $0xD0000000  }
0x3: {  	_ = 	snop  }
0x4: {  	_ = 	snop  }
0x5: {  	_ = 	snop  }
0x6: {  	_ = 	snop  }
0x7: {  	_ = 	snop  }
__scs_overlays_trampoline_lowered:
0x8: {  	[smem:$0x3FAD] =	sst s0  }
0x9: {  	[smem:$0x3FAE] =	sst s1  }
0xa: {  	[smem:$0x3FAF] =	sst s2  }
0xb: {  	[smem:$0x3FB0] =	sst s3  }
0xc: {  	[smem:$0x3FB1] =	sst s4  }
0xd: {  	[smem:$0x3FB2] =	sst s5  }
0xe: {  	[smem:$0x3FB3] =	sst s6  }
0xf: {  	[smem:$0x3FB4] =	sst s7  }
0x10: {  	[smem:$0x3FB5] =	sst s8  }
0x11: {  	[smem:$0x3FB6] =	sst s9;
	s0 =	simm.s32 @!p0 $0x0  }
0x12: {  	s1 =	sld [smem:$0x3F9C];
	s0 =	simm.s32 @p0 $0x1  }
0x13: {  	[smem:$0x3FB7] =	sst s0;
	s0 =	simm.s32 @!p1 $0x0  }
0x14: {  	s2 =	sld [smem:$0x3F9B];
	s0 =	simm.s32 @p1 $0x1  }
0x15: {  	[smem:$0x3FB8] =	sst s0;
	s0 =	simm.s32 @!p2 $0x0  }
0x16: {  	s3 =	sld [smem:$0x3FDB];
	s0 =	simm.s32 @p2 $0x1  }
0x17: {  	s4 =	simm.s32 $0x1BF5;
	[smem:$0x3FBA] =	sst s0  }
0x18: {  	s0 =	sld [smem:$0x3F9D];
	_ =	swait.ge [sflag:s4], $0x0  }
0x19: {  	s7 =	sld [smem:$0x3F9E]  }
0x1a: {  	s8 =	sadd.s32 $0xFFFFE003, lr  }
0x1b: {  	s9 =	sadd.s32 $0xFFFFFEF7, lr;
	s5 =	simm.s32 $0xFFFFFFFF;
	p2 =	slt.u32 s8, $0xFFFFF086  }
0x1c: {  	p1 =	slt.u32 s9, $0xF7A;
	s5 =	simm.s32 @!p2 $0x0  }
0x1d: {  	s5 =	simm.s32 @p1 $0x1;
	p0 =	seq.s32 s7, s2  }
0x1e: {  	s7 =	smul.u32 @!p0 $0xF7A, s2;
	p2 =	seq.s32 @!p0 s5, $0x0  }
0x1f: {  	s9 =	smul.u32 $0xF7A, s1;
	s8 =	simm.s32 @!p0 $0x1BF5;
	p2 =	por !p2, p0  }
0x20: {  	[sflag:s8] =	ssyncset.s32 @!p0 $0xFFFFF086;
	s6 =	sadd.s32 @!p0 s3, s7;
	s7 =	simm.s32 @!p0 $0x108  }
0x21: {  	s3 =	sadd.s32 s3, s9;
	s6 =	sadd.s32 @!p0 $0x88, s6;
	s7 =	simm.s32 @p2 $0x1082  }
0x22: {  	[simem:s7], [sflag:s8] =	dma.local @!p0 [hbm:s6], $0xF7A  }
0x23: {  	s9 =	sor.u32 $0xD0000000, s2;
	s6 =	simm.s32 $0x108;
	_ =	swait.ge @!p0 [sflag:s8], $0x0  }
0x24: {  	s3 =	sadd.s32 $0x88, s3;
	s6 =	simm.s32 @!p1 $0x1082;
	[sflag:s4] =	ssyncset.s32 $0xFFFFF086  }
0x25: {  	[simem:s6], [sflag:s4] =	dma.local [hbm:s3], $0xF7A  }
0x26: {  	[smem:$0x3F9E] =	sst s1;
	(tag) =	ssettag s2;
	_ =	strace s9  }
0x27: {  	s1 =	sld [smem:$0x3FAE]  }
0x28: {  	s2 =	sld [smem:$0x3FAF]  }
0x29: {  	s4 =	sld [smem:$0x3FB1]  }
0x2a: {  	p0 =	seq.s32 s5, $0x0;
	s5 =	sld [smem:$0x3FB2]  }
0x2b: {  	s6 =	sld [smem:$0x3FB3]  }
0x2c: {  	s7 =	sld [smem:$0x3FB4]  }
0x2d: {  	s3 =	simm.s32 $0x108;
	s8 =	sld [smem:$0x3FB5]  }
0x2e: {  	s3 =	simm.s32 @!p0 $0x1082;
	s9 =	sld [smem:$0x3FB6]  }
0x2f: {  	lr =	sadd.s32 s0, s3;
	s0 =	sld [smem:$0x3FAD]  }
0x30: {  	s3 =	sld [smem:$0x3FB0]  }
0x31: {  	[smem:$0x3FB9] =	sst s10  }
0x32: {  	s10 =	sld [smem:$0x3FB7];
	_ =	sdelay $0x3  }
0x33: {  	p0 =	seq.s32 s10, $0x1;
	s10 =	sld [smem:$0x3FB9];
	_ =	sdelay $0x3  }
0x34: {  	[smem:$0x3FB9] =	sst s10  }
0x35: {  	s10 =	sld [smem:$0x3FB8];
	_ =	sdelay $0x3  }
0x36: {  	p1 =	seq.s32 s10, $0x1;
	s10 =	sld [smem:$0x3FB9];
	_ =	sdelay $0x3  }
0x37: {  	[smem:$0x3FB9] =	sst s10  }
0x38: {  	s10 =	sld [smem:$0x3FBA]  }
0x39: {  	_ = 	snop;
	(pc) =	sbr.ind lr, $3  }
0x3a: {  	_ = 	snop  }
0x3b: {  	_ = 	snop  }
0x3c: {  	p2 =	seq.s32 s10, $0x1;
	s10 =	sld [smem:$0x3FB9]  }
0x3d: {  	_ =	shalt  }
0x3e: {  	_ =	shalt  }
0x3f: {  	_ =	shalt  }
0x40: {  	_ =	shalt  }
0x41: {  	_ =	shalt  }
0x42: {  	_ =	shalt  }
0x43: {  	_ =	shalt  }
0x44: {  	_ =	shalt  }
0x45: {  	_ =	shalt  }
0x46: {  	_ =	shalt  }
0x47: {  	_ =	shalt  }
0x48: {  	_ =	shalt  }
0x49: {  	_ =	shalt  }
0x4a: {  	_ =	shalt  }
0x4b: {  	_ =	shalt  }
0x4c: {  	_ =	shalt  }
0x4d: {  	_ =	shalt  }
0x4e: {  	_ =	shalt  }
0x4f: {  	_ =	shalt  }
0x50: {  	_ =	shalt  }
0x51: {  	_ =	shalt  }
0x52: {  	_ =	shalt  }
0x53: {  	_ =	shalt  }
0x54: {  	_ =	shalt  }
0x55: {  	_ =	shalt  }
0x56: {  	_ =	shalt  }
0x57: {  	_ =	shalt  }
0x58: {  	_ =	shalt  }
0x59: {  	_ =	shalt  }
0x5a: {  	_ =	shalt  }
0x5b: {  	_ =	shalt  }
0x5c: {  	_ =	shalt  }
0x5d: {  	_ =	shalt  }
0x5e: {  	_ =	shalt  }
0x5f: {  	_ =	shalt  }
0x60: {  	_ =	shalt  }
0x61: {  	_ =	shalt  }
0x62: {  	_ =	shalt  }
0x63: {  	_ =	shalt  }
0x64: {  	_ =	shalt  }
0x65: {  	_ =	shalt  }
0x66: {  	_ =	shalt  }
0x67: {  	_ =	shalt  }
0x68: {  	_ =	shalt  }
0x69: {  	_ =	shalt  }
0x6a: {  	_ =	shalt  }
0x6b: {  	_ =	shalt  }
0x6c: {  	_ =	shalt  }
0x6d: {  	_ =	shalt  }
0x6e: {  	_ =	shalt  }
0x6f: {  	_ =	shalt  }
0x70: {  	_ =	shalt  }
0x71: {  	_ =	shalt  }
0x72: {  	_ =	shalt  }
0x73: {  	_ =	shalt  }
0x74: {  	_ =	shalt  }
0x75: {  	_ =	shalt  }
0x76: {  	_ =	shalt  }
0x77: {  	_ =	shalt  }
0x78: {  	_ =	shalt  }
0x79: {  	_ =	shalt  }
0x7a: {  	_ =	shalt  }
0x7b: {  	_ =	shalt  }
0x7c: {  	_ =	shalt  }
0x7d: {  	_ =	shalt  }
0x7e: {  	_ =	shalt  }
0x7f: {  	_ =	shalt  }
0x80: {  	_ =	shalt  }
0x81: {  	_ =	shalt  }
0x82: {  	_ =	shalt  }
0x83: {  	_ =	shalt  }
0x84: {  	_ =	shalt  }
0x85: {  	_ =	shalt  }
0x86: {  	_ =	shalt  }
0x87: {  	_ =	shalt  }
.Lfunc_end0:
.L_simem_size_0:
called_computation_lowered:
.L_overlay_start_0:
0x88: {  	s2 =	sld [smem:$0x3FD9]  }
0x89: {  	s3 =	sld [smem:$0x3FFE];
	_ =	sdelay $0x1  }
0x8a: {  	s1 =	srdreg.scid  }
0x8b: {  	s0 =	sand.u32 $0x1, s1  }
0x8c: {  	s17 =	sshll.u32 s0, $0xA;
	s2 =	sadd.s32 s3, s2  }
0x8d: {  	s2 =	sadd.s32 s2, s17  }
0x8e: {  	[smem:$0x3FC5] =	sst s2  }
0x8f: {  	_ = 	snop  }
0x90: {  	s2 =	sld [smem:$0x3FD0];
	(tm) =	ssettm $0x1  }
0x91: {  	s18 =	sld [smem:$0x3FFB];
	_ =	sdelay $0x3  }
0x92: {  	_ =	strace s18  }
0x93: {  	s3 =	sld [smem:$0x3FFC];
	_ =	sdelay $0x3  }
0x94: {  	_ =	strace s3  }
0x95: {  	s3 =	sld [smem:$0x3FFD];
	_ =	sdelay $0x3  }
0x96: {  	_ =	strace s3  }
0x97: {  	_ =	strace $0x8FFFFFFF  }
0x98: {  	s19 =	sld [smem:$0x3FDB];
	_ =	sdelay $0x1  }
0x99: {  	s4 =	simm.s32 $_scs_section_size  }
0x9a: {  	s5 =	simm.s32 $_size__tile_overlayer_lowered;
	s6 =	simm.s32 $_tile_overlayer_lowered  }
0x9b: {  	s22 =	simm.s32 $0x1BFF;
	s21 =	sshll.u32 s6, $0x1;
	s3 =	sadd.s32 s4, s19  }
0x9c: {  	s7 =	simm.s32 $0x0;
	s20 =	sshll.u32 s5, $0x1;
	s5 =	sadd.s32 s21, s3  }
0x9d: {  	[timem:s7], [sflag:s22] =	dma.local [hbm:s5], s20  }
0x9e: {  	_ =	swait.ge [sflag:s22], s20  }
0x9f: {  	s4 =	ssub.s32 $0x0, s20;
	[sflag:s22] =	ssyncset.done $0x0  }
0xa0: {  	[sflag:s22] =	ssyncadd.s32 s4;
	_ =	sdelay $0x1  }
0xa1: {  	s23 =	simm.s32 $0x1B8B  }
0xa2: {  	_ =	swait.ge [sflag:s23], $0x1  }
0xa3: {  	[sflag:s23] =	ssyncset.done $0x0  }
0xa4: {  	s25 =	simm.s32 $0x1B8E;
	s24 =	sld [smem:$0x3FFE];
	[sflag:s23] =	ssyncadd.s32 $0xFFFFFFFF  }
0xa5: {  	s26 =	simm.s32 $execute0_lowered;
	[smem:$0x3FD2] =	sst s25  }
0xa6: {  	s5 =	sshll.u32 s26, $0x1;
	_ =	strace $0x80000046;
	[dreg:$0x1] =	wrdreg $0xFFFFFFFF  }
0xa7: {  	s28 =	simm.s32 $_size_execute0_lowered;
	s3 =	sadd.s32 s3, s5;
	[dreg:$0x0] =	wrdreg $0x0  }
0xa8: {  	s5 =	sshll.u32 s28, $0x1;
	[dreg:$0x2] =	wrdreg s3  }
0xa9: {  	[dreg:$0x3] =	wrdreg s5  }
0xaa: {  	[dreg:$0x4] =	wrdreg $0xC0  }
0xab: {  	_ =	task [dreg:s7], $0x5FFFF  }
0xac: {  	[dreg:$0x1] =	wrdreg $0xFFFFFFFF  }
0xad: {  	[dreg:$0x0] =	wrdreg $0x60  }
0xae: {  	[dreg:$0x2] =	wrdreg s24  }
0xaf: {  	[dreg:$0x3] =	wrdreg s2  }
0xb0: {  	[dreg:$0x4] =	wrdreg $0x9  }
0xb1: {  	_ =	task.clear_ibuf [dreg:s7], $0x5FFFF;
	_ =	strace $0x90000046  }
0xb2: {  	s29 =	simm.s32 $0x9;
	_ =	strace $0x80000048  }
0xb3: {  	_ =	swait.ge [sflag:s29], $0x1  }
0xb4: {  	[sflag:s29] =	ssyncadd.s32 $0xFFFFFFFF  }
0xb5: {  	_ =	strace $0x90000048  }
0xb6: {  	_ =	sfence  }
0xb7: {  	s30 =	sld [smem:$0x0];
	_ =	sdelay $0x2  }
0xb8: {  	s31 =	sshll.u32 s1, $0xD;
	s1 =	sshrl.u32 s1, $0x2  }
0xb9: {  	s3 =	sand.u32 $0x4000, s31;
	s1 =	sadd.s32 s1, s30  }
0xba: {  	s0 =	sor.u32 s3, s0;
	s1 =	sshll.u32 s1, $0x11  }
0xbb: {  	s0 =	sor.u32 s1, s0  }
0xbc: {  	s0 =	sadd.s32 $0x8F2B, s0  }
0xbd: {  	[sflag:s0] =	ssyncadd.remote.s32 $0x1  }
0xbe: {  	_ =	sfence.sel $0xFFFF  }
0xbf: {  	[dreg:$0x0] =	wrdreg $0xFFFFFFFF;
	(pc) =	sbr.abs _section_cstart, $3  }
0xc0: {  	[dreg:$0x1] =	wrdreg $0xFFFFFFFF  }
0xc1: {  	_ =	task.clear_ibuf [dreg:s7], $0x2FFFF;
	_ =	strace $0x9FFFFFFF  }
0xc2: {  	(tm) =	ssettm $0x7FFFFFFF  }
0xc3: {  	_ =	shalt  }
tec
execute0_lowered:
.L_overlay_start_1:
0x0: {  	(tag) =	ssettag $0x1  }
0x1: {  	s0 =	rddreg [dreg:$0x0]  }
0x2: {  	s2 =	rddreg [dreg:$0x1];
	s3 =	simm.s32 $0x0;
	s5 =	stileid.u32  }
0x3: {  	s1 =	srdreg.scid;
	s29 =	simm.s32 $0xA840;
	s30 =	simm.s32 $0x1  }
0x4: {  	s31 =	simm.s32 $0x2;
	[smem:$0x7FF] =	sst s3;
	s4 =	sshll.u32 s5, $0x7  }
0x5: {  	s1 =	sand.u32 $0x1, s1;
	s6 =	sadd.s32 $0x1800, s0;
	s8 =	sshll.u32 s5, $0x10  }
0x6: {  	s5 =	sadd.s32 $0x600, s0;
	_ =	strace $0x80000047;
	[dreg:$0x3] =	wrdreg s6  }
0x7: {  	s4 =	sadd.s32 s4, s0;
	s26 =	ssub.s32 $0x2, s1;
	s1 =	sshll.u32 s1, $0x14  }
0x8: {  	s0 =	simm.s32 $0x3;
	s7 =	sshrl.u32 s26, $0x1;
	s1 =	sor.u32 s8, s1  }
0x9: {  	s6 =	sadd.s32 $0x1000, s4;
	s28 =	ssub.s32 s26, s7;
	s8 =	sadd.s32 s2, s1  }
0xa: {  	s7 =	sadd.s32 $0x800, s4;
	s1 =	simm.s32 $0x0;
	s9 =	sadd.s32 $0x1000, s8  }
0xb: {  	s10 =	sadd.s32 $0x2000, s8;
	s11 =	sadd.s32 $0x3000, s8;
	s12 =	sadd.s32 $0x4000, s8  }
0xc: {  	s13 =	sadd.s32 $0x5000, s8;
	s14 =	sadd.s32 $0x6000, s8;
	s15 =	sadd.s32 $0x7000, s8  }
0xd: {  	s16 =	sadd.s32 $0x8000, s8;
	s17 =	sadd.s32 $0x9000, s8;
	s18 =	sadd.s32 $0xA000, s8  }
0xe: {  	s19 =	sadd.s32 $0xB000, s8;
	s20 =	sadd.s32 $0xC000, s8;
	s21 =	sadd.s32 $0xD000, s8  }
0xf: {  	v0 =	vimm.f32 $0.0e+00;
	s22 =	sadd.s32 $0xE000, s8;
	s23 =	sadd.s32 $0xF000, s8;
	s24 =	smax.u32 s28, $0x1  }
.LBB2_1:
0x10: {  	s4 =	rddreg [dreg:$0x3]  }
0x11: {  	[tilespmem:s3], [sflag:$0x1] =	stream.linear.gather [hbm4b:s4+s3], $0x2000, $0x38;
	[tilespmem:$0x12840] =	vst v63  }
0x12: {  	s25 =	simm.s32 $0x2000  }
0x13: {  	[tilespmem:s25], [sflag:$0x1] =	stream.linear.gather [hbm4b:s5+s3], $0x40, $0x38;
	[tilespmem:$0x12840] =	vst v63  }
0x14: {  	s26 =	simm.s32 $0x2040  }
0x15: {  	[tilespmem:s26], [sflag:$0x1] =	stream.linear.gather [hbm4b:s6+s3], $0x400, $0x38;
	[tilespmem:$0x12840] =	vst v63  }
0x16: {  	s28 =	simm.s32 $0x2440;
	s25 =	simm.s32 $0x40;
	s26 =	simm.s32 $0x0  }
0x17: {  	[tilespmem:s28], [sflag:$0x1] =	stream.linear.gather [hbm4b:s7+s3], $0x400, $0x38;
	[tilespmem:$0x12840] =	vst v63  }
.LBB2_2:
0x18: {  	p0 =	sne.s32 s25, $0x1FFC0;
	[tilespmem:s26+$0xA840] =	vst v0;
	s4 =	smov.u32 s25;
	s25 =	sadd.s32 $0x40, s25  }
.Ltmp0:
0x19: {  	(pc) =	sbr.rel @p0 .LBB2_2-.Ltmp0, $2  }
0x1a: {  	_ =	sdelay $0x2  }
0x1b: {  	s26 =	sshra.s32 s4, $0x2  }
0x1c: {  	[tilespmem:s26+$0xA840] =	vst v0;
	s25 =	simm.s32 $0x0  }
0x1d: {  	[hbm4b:s8+s25] =	stream.linear.scatter [tilespmem:s29], [sflag:$0x2], $0x8000, $0x38;
	[tilespmem:$0x12840] =	vst v63  }
0x1e: {  	_ = 	snop  }
0x1f: {  	[hbm4b:s9+s25] =	stream.linear.scatter [tilespmem:s29], [sflag:$0x2], $0x8000, $0x38;
	[tilespmem:$0x12840] =	vst v63  }
0x20: {  	_ = 	snop  }
0x21: {  	[hbm4b:s10+s25] =	stream.linear.scatter [tilespmem:s29], [sflag:$0x2], $0x8000, $0x38;
	[tilespmem:$0x12840] =	vst v63  }
0x22: {  	_ = 	snop  }
0x23: {  	[hbm4b:s11+s25] =	stream.linear.scatter [tilespmem:s29], [sflag:$0x2], $0x8000, $0x38;
	[tilespmem:$0x12840] =	vst v63  }
0x24: {  	_ = 	snop  }
0x25: {  	[hbm4b:s12+s25] =	stream.linear.scatter [tilespmem:s29], [sflag:$0x2], $0x8000, $0x38;
	[tilespmem:$0x12840] =	vst v63  }
0x26: {  	_ = 	snop  }
0x27: {  	[hbm4b:s13+s25] =	stream.linear.scatter [tilespmem:s29], [sflag:$0x2], $0x8000, $0x38;
	[tilespmem:$0x12840] =	vst v63  }
0x28: {  	_ = 	snop  }
0x29: {  	[hbm4b:s14+s25] =	stream.linear.scatter [tilespmem:s29], [sflag:$0x2], $0x8000, $0x38;
	[tilespmem:$0x12840] =	vst v63  }
0x2a: {  	_ = 	snop  }
0x2b: {  	[hbm4b:s15+s25] =	stream.linear.scatter [tilespmem:s29], [sflag:$0x2], $0x8000, $0x38;
	[tilespmem:$0x12840] =	vst v63  }
0x2c: {  	_ = 	snop  }
0x2d: {  	[hbm4b:s16+s25] =	stream.linear.scatter [tilespmem:s29], [sflag:$0x2], $0x8000, $0x38;
	[tilespmem:$0x12840] =	vst v63  }
0x2e: {  	_ = 	snop  }
0x2f: {  	[hbm4b:s17+s25] =	stream.linear.scatter [tilespmem:s29], [sflag:$0x2], $0x8000, $0x38;
	[tilespmem:$0x12840] =	vst v63  }
0x30: {  	_ = 	snop  }
0x31: {  	[hbm4b:s18+s25] =	stream.linear.scatter [tilespmem:s29], [sflag:$0x2], $0x8000, $0x38;
	[tilespmem:$0x12840] =	vst v63  }
0x32: {  	_ = 	snop  }
0x33: {  	[hbm4b:s19+s25] =	stream.linear.scatter [tilespmem:s29], [sflag:$0x2], $0x8000, $0x38;
	[tilespmem:$0x12840] =	vst v63  }
0x34: {  	_ = 	snop  }
0x35: {  	[hbm4b:s20+s25] =	stream.linear.scatter [tilespmem:s29], [sflag:$0x2], $0x8000, $0x38;
	[tilespmem:$0x12840] =	vst v63  }
0x36: {  	_ = 	snop  }
0x37: {  	[hbm4b:s21+s25] =	stream.linear.scatter [tilespmem:s29], [sflag:$0x2], $0x8000, $0x38;
	[tilespmem:$0x12840] =	vst v63  }
0x38: {  	_ = 	snop  }
0x39: {  	[hbm4b:s22+s25] =	stream.linear.scatter [tilespmem:s29], [sflag:$0x2], $0x8000, $0x38;
	[tilespmem:$0x12840] =	vst v63  }
0x3a: {  	_ = 	snop  }
0x3b: {  	[hbm4b:s23+s25] =	stream.linear.scatter [tilespmem:s29], [sflag:$0x2], $0x8000, $0x38;
	[tilespmem:$0x12840] =	vst v63  }
0x3c: {  	_ =	swait.ge [sflag:s30], $0x2000  }
0x3d: {  	[sflag:s30] =	ssyncset.done $0x0  }
0x3e: {  	[sflag:s30] =	ssyncadd.s32 $0xFFFFE000  }
0x3f: {  	_ =	swait.ge [sflag:s30], $0x40  }
0x40: {  	[sflag:s30] =	ssyncset.done $0x0  }
0x41: {  	[sflag:s30] =	ssyncadd.s32 $0xFFFFFFC0  }
0x42: {  	_ =	swait.ge [sflag:s30], $0x400  }
0x43: {  	[sflag:s30] =	ssyncset.done $0x0  }
0x44: {  	[sflag:s30] =	ssyncadd.s32 $0xFFFFFC00  }
0x45: {  	_ =	swait.ge [sflag:s30], $0x400  }
0x46: {  	[sflag:s30] =	ssyncset.done $0x0  }
0x47: {  	[sflag:s30] =	ssyncadd.s32 $0xFFFFFC00  }
0x48: {  	v1 =	vld [tilespmem:$0x2000];
	_ =	sdelay $0x4  }
0x49: {  	v2 =	vbroadcast v1, $0x0  }
0x4a: {  	v3 =	vbroadcast v1, $0x6  }
0x4b: {  	[tilespmem:$0x1FEF0] =	vst v2;
	v2 =	vbroadcast v1, $0x1  }
0x4c: {  	[tilespmem:$0x1FF50] =	vst v3;
	v3 =	vbroadcast v1, $0x7  }
0x4d: {  	[tilespmem:$0x1FF00] =	vst v2;
	v2 =	vbroadcast v1, $0x2  }
0x4e: {  	[tilespmem:$0x1FF60] =	vst v3;
	v3 =	vbroadcast v1, $0x8  }
0x4f: {  	[tilespmem:$0x1FF10] =	vst v2;
	v2 =	vbroadcast v1, $0x3  }
0x50: {  	[tilespmem:$0x1FF70] =	vst v3;
	v3 =	vbroadcast v1, $0x9  }
0x51: {  	[tilespmem:$0x1FF20] =	vst v2;
	v2 =	vbroadcast v1, $0x4  }
0x52: {  	[tilespmem:$0x1FF80] =	vst v3;
	v3 =	vbroadcast v1, $0xA  }
0x53: {  	[tilespmem:$0x1FF30] =	vst v2;
	v2 =	vbroadcast v1, $0x5  }
0x54: {  	[tilespmem:$0x1FF90] =	vst v3;
	v3 =	vbroadcast v1, $0xB  }
0x55: {  	[tilespmem:$0x1FF40] =	vst v2  }
0x56: {  	v2 =	vld [tilespmem:$0x2010];
	[tilespmem:$0x1FFA0] =	vst v3;
	v3 =	vbroadcast v1, $0xC;
	_ =	sdelay $0x1  }
0x57: {  	[tilespmem:$0x1FFB0] =	vst v3;
	v3 =	vbroadcast v1, $0xD;
	_ =	sdelay $0x1  }
0x58: {  	[tilespmem:$0x1FFC0] =	vst v3;
	v3 =	vbroadcast v1, $0xE;
	v1 =	vbroadcast v1, $0xF  }
0x59: {  	v18 =	vbroadcast v2, $0x1;
	v19 =	vbroadcast v2, $0x2  }
0x5a: {  	v20 =	vbroadcast v2, $0x3;
	v21 =	vbroadcast v2, $0x4  }
0x5b: {  	v22 =	vbroadcast v2, $0x5;
	v23 =	vbroadcast v2, $0x6  }
0x5c: {  	v24 =	vbroadcast v2, $0x7;
	v25 =	vbroadcast v2, $0x8  }
0x5d: {  	v26 =	vbroadcast v2, $0x9;
	v27 =	vbroadcast v2, $0xA  }
0x5e: {  	v28 =	vbroadcast v2, $0xB;
	v29 =	vbroadcast v2, $0xC  }
0x5f: {  	v30 =	vbroadcast v2, $0xD;
	v31 =	vbroadcast v2, $0xE  }
0x60: {  	v32 =	vbroadcast v2, $0xF;
	[tilespmem:$0x1FFE0] =	vst v1;
	v1 =	vbroadcast v2, $0x0;
	v2 =	vld [tilespmem:$0x2030];
	_ =	sdelay $0x4  }
0x61: {  	v49 =	vbroadcast v2, $0x0;
	v50 =	vbroadcast v2, $0x1  }
0x62: {  	v51 =	vbroadcast v2, $0x2;
	v52 =	vbroadcast v2, $0x3  }
0x63: {  	[tilespmem:$0x1FFF0] =	vst v1;
	v1 =	vld [tilespmem:$0x2020];
	v53 =	vbroadcast v2, $0x4;
	v54 =	vbroadcast v2, $0x5  }
0x64: {  	v55 =	vbroadcast v2, $0x6;
	v56 =	vbroadcast v2, $0x7  }
0x65: {  	v57 =	vbroadcast v2, $0x8;
	v58 =	vbroadcast v2, $0x9  }
0x66: {  	v59 =	vbroadcast v2, $0xA;
	v60 =	vbroadcast v2, $0xB  }
0x67: {  	v61 =	vbroadcast v2, $0xC;
	v62 =	vbroadcast v2, $0xD  }
0x68: {  	v63 =	vbroadcast v2, $0xE;
	v33 =	vbroadcast v1, $0x0  }
0x69: {  	v34 =	vbroadcast v1, $0x1;
	v35 =	vbroadcast v1, $0x2  }
0x6a: {  	v36 =	vbroadcast v1, $0x3;
	v37 =	vbroadcast v1, $0x4  }
0x6b: {  	v38 =	vbroadcast v1, $0x5;
	v39 =	vbroadcast v1, $0x6  }
0x6c: {  	v40 =	vbroadcast v1, $0x7;
	v41 =	vbroadcast v1, $0x8  }
0x6d: {  	v42 =	vbroadcast v1, $0x9;
	v43 =	vbroadcast v1, $0xA  }
0x6e: {  	v44 =	vbroadcast v1, $0xB;
	v45 =	vbroadcast v1, $0xC  }
0x6f: {  	v46 =	vbroadcast v1, $0xD;
	v47 =	vbroadcast v1, $0xE  }
0x70: {  	[tilespmem:$0x1FFD0] =	vst v3;
	v48 =	vbroadcast v1, $0xF;
	v1 =	vbroadcast v2, $0xF  }
.LBB2_4:
0x71: {  	s26 =	sshra.s32 s25, $0x2  }
0x72: {  	v2 =	vld [tilespmem:s26+$0x2040]  }
0x73: {  	v3 =	vld [tilespmem:s26+$0x2440];
	_ =	sdelay $0x3  }
0x74: {  	v4 =	vshll.u32 v2, $0x3  }
0x75: {  	v5 =	vshll.u32 v3, $0x3  }
0x76: {  	v8 =	vor.u32 $0x2, v4  }
0x77: {  	v10 =	vor.u32 $0x2, v5  }
0x78: {  	v6 =	vor.u32 $0x1, v4  }
0x79: {  	v7 =	vor.u32 $0x1, v5;
	v9 =	vld.idx.msk [tilespmem:v4+s3+$0x0], $0xffff  }
0x7a: {  	v11 =	vld.idx.msk [tilespmem:v5+s3+$0x0], $0xffff;
	v4 =	vor.u32 $0x3, v4  }
0x7b: {  	v8 =	vld.idx.msk [tilespmem:v8+s3+$0x0], $0xffff  }
0x7c: {  	v10 =	vld.idx.msk [tilespmem:v10+s3+$0x0], $0xffff  }
0x7d: {  	v5 =	vor.u32 $0x3, v5;
	v6 =	vld.idx.msk [tilespmem:v6+s3+$0x0], $0xffff  }
0x7e: {  	v7 =	vld.idx.msk [tilespmem:v7+s3+$0x0], $0xffff  }
0x7f: {  	v12 =	vld.idx.msk [tilespmem:v4+s3+$0x0], $0xffff  }
0x80: {  	v15 =	vshll.u32 v3, $0x2;
	v14 =	vsub.f32 v9, v11;
	v11 =	vld [tilespmem:$0x1FF00]  }
0x81: {  	v2 =	vshll.u32 v2, $0xE;
	v4 =	vand.u32 $0xFFFFFE00, v15;
	v15 =	vsub.f32 v8, v10;
	v10 =	vld [tilespmem:$0x1FEF0]  }
0x82: {  	v3 =	vand.u32 $0x7F, v3;
	v13 =	vld.idx.msk [tilespmem:v5+s3+$0x0], $0xffff;
	v2 =	vadd.s32 v2, v4  }
0x83: {  	v6 =	vsub.f32 v6, v7;
	v2 =	vor.u32 v3, v2;
	v3 =	vld [tilespmem:$0x1FF10];
	_ =	sdelay $0x1  }
0x84: {  	v5 =	vand.u32 $0x7FFFFFFF, v14;
	v6 =	vand.u32 $0x7FFFFFFF, v6  }
0x85: {  	v14 =	vmul.f32 v6, v11;
	v8 =	vmul.f32 v5, v10  }
0x86: {  	v4 =	vand.u32 $0x7FFFFFFF, v15  }
0x87: {  	v15 =	vsub.f32 v12, v13;
	v12 =	vmul.f32 v4, v3;
	v8 =	vadd.f32 v14, v8  }
0x88: {  	v14 =	vld [tilespmem:$0x1FF40]  }
0x89: {  	v8 =	vadd.f32 v12, v8;
	v12 =	vld [tilespmem:$0x1FF80]  }
0x8a: {  	v13 =	vld [tilespmem:$0x1FF30]  }
0x8b: {  	v3 =	vand.u32 $0x7FFFFFFF, v15;
	v15 =	vld [tilespmem:$0x1FF70];
	_ =	sdelay $0x1  }
0x8c: {  	v10 =	vmul.f32 v6, v14;
	v14 =	vld [tilespmem:$0x1FF90]  }
0x8d: {  	v11 =	vmul.f32 v6, v12;
	v12 =	vld [tilespmem:$0x1FF20];
	_ =	sdelay $0x1  }
0x8e: {  	v7 =	vmul.f32 v5, v13;
	v13 =	vld [tilespmem:$0x1FF50];
	v9 =	vmul.f32 v5, v15  }
0x8f: {  	v15 =	vld [tilespmem:$0x1FFB0]  }
0x90: {  	v9 =	vadd.f32 v11, v9;
	v11 =	vmul.f32 v4, v14;
	v14 =	vld [tilespmem:$0x1FFC0]  }
0x91: {  	v12 =	vmul.f32 v3, v12;
	_ =	sdelay $0x1  }
0x92: {  	v7 =	vadd.f32 v10, v7;
	v10 =	vmul.f32 v4, v13;
	v8 =	vadd.f32 v12, v8;
	v12 =	vld [tilespmem:$0x1FFA0]  }
0x93: {  	v13 =	vld [tilespmem:$0x1FF60]  }
0x94: {  	v7 =	vadd.f32 v10, v7;
	v10 =	vmul.f32 v5, v15;
	v14 =	vmul.f32 v6, v14;
	_ =	sdelay $0x1  }
0x95: {  	v10 =	vadd.f32 v14, v10;
	v14 =	vld [tilespmem:$0x1FFF0]  }
0x96: {  	v9 =	vadd.f32 v11, v9;
	v11 =	vmul.f32 v3, v12;
	v12 =	vld [tilespmem:$0x1FFD0]  }
0x97: {  	v13 =	vmul.f32 v3, v13;
	_ =	sdelay $0x1  }
0x98: {  	v15 =	vld [tilespmem:$0x1FFE0];
	v7 =	vadd.f32 v13, v7  }
0x99: {  	v13 =	vmul.f32 v6, v18;
	v9 =	vadd.f32 v11, v9;
	v11 =	vmul.f32 v5, v14  }
0x9a: {  	v17 =	vmul.f32 v6, v26;
	v12 =	vmul.f32 v4, v12  }
0x9b: {  	v16 =	vmul.f32 v3, v20;
	v11 =	vadd.f32 v13, v11;
	v13 =	vmul.f32 v4, v19  }
0x9c: {  	v14 =	vmul.f32 v6, v22;
	v10 =	vadd.f32 v12, v10;
	v12 =	vmul.f32 v5, v21  }
0x9d: {  	v15 =	vmul.f32 v3, v15;
	v11 =	vadd.f32 v13, v11;
	v13 =	vmul.f32 v5, v25  }
0x9e: {  	[tilespmem:s26+$0x6840] =	vst v8;
	v8 =	vor.u32 $0x80, v2;
	v12 =	vadd.f32 v14, v12;
	v14 =	vmul.f32 v4, v23  }
0x9f: {  	v10 =	vadd.f32 v15, v10;
	v13 =	vadd.f32 v17, v13;
	v15 =	vmul.f32 v4, v27  }
0xa0: {  	[tilespmem:s26+$0x6C40] =	vst v7;
	v7 =	vor.u32 $0x100, v2;
	v12 =	vadd.f32 v14, v12;
	v14 =	vmul.f32 v3, v24  }
0xa1: {  	v11 =	vadd.f32 v16, v11;
	v13 =	vadd.f32 v15, v13;
	v15 =	vmul.f32 v3, v28  }
0xa2: {  	v16 =	vmul.f32 v6, v30;
	v12 =	vadd.f32 v14, v12;
	v14 =	vmul.f32 v5, v29  }
0xa3: {  	[tilespmem:s26+$0x2C40] =	vst v8;
	v8 =	vadd.f32 v15, v13;
	v13 =	vmul.f32 v5, v33;
	v15 =	vmul.f32 v6, v34  }
0xa4: {  	[tilespmem:s26+$0x3040] =	vst v7;
	v14 =	vadd.f32 v16, v14;
	v16 =	vmul.f32 v4, v31  }
0xa5: {  	[tilespmem:s26+$0x7040] =	vst v9;
	v9 =	vor.u32 $0x180, v2;
	v7 =	vadd.f32 v15, v13;
	v13 =	vmul.f32 v4, v35  }
0xa6: {  	[tilespmem:s26+$0x3440] =	vst v9;
	v9 =	vmul.f32 v5, v41;
	v14 =	vadd.f32 v16, v14;
	v16 =	vmul.f32 v3, v32  }
0xa7: {  	[tilespmem:s26+$0x7840] =	vst v11;
	v11 =	vadd.s32 $0x1000, v2;
	v7 =	vadd.f32 v13, v7;
	v13 =	vmul.f32 v6, v42  }
0xa8: {  	[tilespmem:s26+$0x7440] =	vst v10;
	v10 =	vadd.f32 v16, v14;
	v14 =	vmul.f32 v5, v37;
	v16 =	vmul.f32 v6, v38  }
0xa9: {  	[tilespmem:s26+$0x3840] =	vst v11;
	v11 =	vmul.f32 v4, v43;
	v9 =	vadd.f32 v13, v9  }
0xaa: {  	[tilespmem:s26+$0x2840] =	vst v2;
	v15 =	vmul.f32 v3, v36;
	v14 =	vadd.f32 v16, v14;
	v16 =	vmul.f32 v4, v39  }
0xab: {  	[tilespmem:s26+$0x7C40] =	vst v12;
	v12 =	vadd.s32 $0x1080, v2;
	v9 =	vadd.f32 v11, v9;
	v11 =	vmul.f32 v3, v44  }
0xac: {  	[tilespmem:s26+$0x3C40] =	vst v12;
	v12 =	vadd.s32 $0x1100, v2;
	v13 =	vadd.f32 v16, v14;
	v14 =	vmul.f32 v3, v40  }
0xad: {  	[tilespmem:s26+$0x4040] =	vst v12;
	v12 =	vmul.f32 v6, v50;
	v9 =	vadd.f32 v11, v9;
	v11 =	vmul.f32 v5, v49  }
0xae: {  	[tilespmem:s26+$0x8040] =	vst v8;
	v8 =	vadd.f32 v14, v13;
	v13 =	vmul.f32 v5, v45;
	v14 =	vmul.f32 v6, v46  }
0xaf: {  	[tilespmem:s26+$0x8440] =	vst v10;
	v10 =	vadd.s32 $0x1180, v2;
	v11 =	vadd.f32 v12, v11;
	v12 =	vmul.f32 v4, v51  }
0xb0: {  	v7 =	vadd.f32 v15, v7;
	[tilespmem:s26+$0x4440] =	vst v10;
	v13 =	vadd.f32 v14, v13;
	v14 =	vmul.f32 v4, v47  }
0xb1: {  	v10 =	vadd.s32 $0x2000, v2;
	v11 =	vadd.f32 v12, v11;
	[tilespmem:s26+$0x8C40] =	vst v8;
	v8 =	vmul.f32 v3, v52  }
0xb2: {  	[tilespmem:s26+$0x8840] =	vst v7;
	v7 =	vadd.f32 v14, v13;
	v13 =	vmul.f32 v5, v53;
	v14 =	vmul.f32 v6, v54  }
0xb3: {  	v15 =	vadd.s32 $0x2100, v2;
	[tilespmem:s26+$0x4840] =	vst v10;
	v10 =	vadd.s32 $0x2080, v2;
	v12 =	vmul.f32 v3, v48  }
0xb4: {  	[tilespmem:s26+$0x4C40] =	vst v10;
	v10 =	vmul.f32 v5, v57;
	v8 =	vadd.f32 v8, v11;
	v13 =	vadd.f32 v14, v13  }
0xb5: {  	[tilespmem:s26+$0x5040] =	vst v15;
	v14 =	vmul.f32 v4, v55;
	v7 =	vadd.f32 v12, v7;
	v12 =	vmul.f32 v6, v58  }
0xb6: {  	v15 =	vmul.f32 v3, v60;
	[tilespmem:s26+$0x9040] =	vst v9;
	v11 =	vmul.f32 v3, v56  }
0xb7: {  	[tilespmem:s26+$0x9840] =	vst v8;
	v9 =	vadd.f32 v14, v13;
	v10 =	vadd.f32 v12, v10;
	v12 =	vmul.f32 v4, v59  }
0xb8: {  	v5 =	vmul.f32 v5, v61;
	v6 =	vmul.f32 v6, v62;
	[tilespmem:s26+$0x9440] =	vst v7;
	v13 =	vadd.s32 $0x2180, v2  }
0xb9: {  	[tilespmem:s26+$0x5440] =	vst v13;
	v7 =	vadd.f32 v11, v9;
	v14 =	vadd.f32 v12, v10;
	v12 =	vadd.s32 $0x3000, v2  }
0xba: {  	v5 =	vadd.f32 v6, v5;
	v4 =	vmul.f32 v4, v63;
	[tilespmem:s26+$0x5840] =	vst v12  }
0xbb: {  	p0 =	sne.s32 s25, $0xFC0;
	v13 =	vadd.f32 v15, v14;
	[tilespmem:s26+$0x9C40] =	vst v7;
	v14 =	vadd.s32 $0x3080, v2  }
.Ltmp1:
0xbc: {  	v3 =	vmul.f32 v3, v1;
	v4 =	vadd.f32 v4, v5;
	v15 =	vadd.s32 $0x3100, v2;
	[tilespmem:s26+$0x5C40] =	vst v14;
	(pc) =	sbr.rel @p0 .LBB2_4-.Ltmp1, $4  }
0xbd: {  	v2 =	vadd.s32 $0x3180, v2;
	[tilespmem:s26+$0x6040] =	vst v15  }
0xbe: {  	v3 =	vadd.f32 v3, v4;
	[tilespmem:s26+$0x6440] =	vst v2  }
0xbf: {  	[tilespmem:s26+$0xA040] =	vst v13  }
0xc0: {  	s25 =	sadd.s32 $0x40, s25;
	[tilespmem:s26+$0xA440] =	vst v3  }
0xc1: {  	_ =	swait.ge [sflag:s31], $0x8000  }
0xc2: {  	[sflag:s31] =	ssyncset.done $0x0  }
0xc3: {  	[sflag:s31] =	ssyncadd.s32 $0xFFFF8000  }
0xc4: {  	_ =	swait.ge [sflag:s31], $0x8000  }
0xc5: {  	[sflag:s31] =	ssyncset.done $0x0  }
0xc6: {  	[sflag:s31] =	ssyncadd.s32 $0xFFFF8000  }
0xc7: {  	_ =	swait.ge [sflag:s31], $0x8000  }
0xc8: {  	[sflag:s31] =	ssyncset.done $0x0  }
0xc9: {  	[sflag:s31] =	ssyncadd.s32 $0xFFFF8000  }
0xca: {  	_ =	swait.ge [sflag:s31], $0x8000  }
0xcb: {  	[sflag:s31] =	ssyncset.done $0x0  }
0xcc: {  	[sflag:s31] =	ssyncadd.s32 $0xFFFF8000  }
0xcd: {  	_ =	swait.ge [sflag:s31], $0x8000  }
0xce: {  	[sflag:s31] =	ssyncset.done $0x0  }
0xcf: {  	[sflag:s31] =	ssyncadd.s32 $0xFFFF8000  }
0xd0: {  	_ =	swait.ge [sflag:s31], $0x8000  }
0xd1: {  	[sflag:s31] =	ssyncset.done $0x0  }
0xd2: {  	[sflag:s31] =	ssyncadd.s32 $0xFFFF8000  }
0xd3: {  	_ =	swait.ge [sflag:s31], $0x8000  }
0xd4: {  	[sflag:s31] =	ssyncset.done $0x0  }
0xd5: {  	[sflag:s31] =	ssyncadd.s32 $0xFFFF8000  }
0xd6: {  	_ =	swait.ge [sflag:s31], $0x8000  }
0xd7: {  	[sflag:s31] =	ssyncset.done $0x0  }
0xd8: {  	[sflag:s31] =	ssyncadd.s32 $0xFFFF8000  }
0xd9: {  	_ =	swait.ge [sflag:s31], $0x8000  }
0xda: {  	[sflag:s31] =	ssyncset.done $0x0  }
0xdb: {  	[sflag:s31] =	ssyncadd.s32 $0xFFFF8000  }
0xdc: {  	_ =	swait.ge [sflag:s31], $0x8000  }
0xdd: {  	[sflag:s31] =	ssyncset.done $0x0  }
0xde: {  	[sflag:s31] =	ssyncadd.s32 $0xFFFF8000  }
0xdf: {  	_ =	swait.ge [sflag:s31], $0x8000  }
0xe0: {  	[sflag:s31] =	ssyncset.done $0x0  }
0xe1: {  	[sflag:s31] =	ssyncadd.s32 $0xFFFF8000  }
0xe2: {  	_ =	swait.ge [sflag:s31], $0x8000  }
0xe3: {  	[sflag:s31] =	ssyncset.done $0x0  }
0xe4: {  	[sflag:s31] =	ssyncadd.s32 $0xFFFF8000  }
0xe5: {  	_ =	swait.ge [sflag:s31], $0x8000  }
0xe6: {  	[sflag:s31] =	ssyncset.done $0x0  }
0xe7: {  	[sflag:s31] =	ssyncadd.s32 $0xFFFF8000  }
0xe8: {  	_ =	swait.ge [sflag:s31], $0x8000  }
0xe9: {  	[sflag:s31] =	ssyncset.done $0x0  }
0xea: {  	[sflag:s31] =	ssyncadd.s32 $0xFFFF8000  }
0xeb: {  	_ =	swait.ge [sflag:s31], $0x8000  }
0xec: {  	[sflag:s31] =	ssyncset.done $0x0  }
0xed: {  	[sflag:s31] =	ssyncadd.s32 $0xFFFF8000  }
0xee: {  	_ =	swait.ge [sflag:s31], $0x8000  }
0xef: {  	[sflag:s31] =	ssyncset.done $0x0  }
0xf0: {  	s25 =	simm.s32 $0x200;
	s28 =	simm.s32 $0x6840;
	[sflag:s31] =	ssyncadd.s32 $0xFFFF8000  }
0xf1: {  	s4 =	simm.s32 $0x2840;
	s26 =	simm.s32 $0x80;
	[bflag:$0x0] =	sbarrier.arrive $0xFFFF  }
.LBB2_6:
0xf2: {  	[hbm4b:s2+s26] =	stream.indirect.scatter [tilespmem:s28], [sflag:$0x3], $0x1, s4, s26, $0xb8;
	[tilespmem:$0x12840] =	vst v63  }
0xf3: {  	s4 =	smov.u32 s25;
	p0 =	sne.s32 s25, $0xFE00  }
.Ltmp2:
0xf4: {  	s25 =	sadd.s32 $0x200, s25;
	(pc) =	sbr.rel @p0 .LBB2_6-.Ltmp2, $3  }
0xf5: {  	_ =	sdelay $0x1  }
0xf6: {  	s4 =	sshra.s32 s4, $0x2  }
0xf7: {  	s28 =	sadd.s32 $0x6840, s4;
	s4 =	sadd.s32 $0x2840, s4  }
0xf8: {  	[hbm4b:s2+s26] =	stream.indirect.scatter [tilespmem:s28], [sflag:$0x3], $0x1, s4, s26, $0xb8;
	[tilespmem:$0x12840] =	vst v63  }
0xf9: {  	_ =	swait.ge [sflag:s0], $0x80  }
0xfa: {  	s25 =	simm.s32 $0x7F;
	[sflag:s0] =	ssyncset.done $0x0  }
.LBB2_8:
0xfb: {  	p0 =	sne.s32 s25, $0x1;
	s25 =	sadd.s32 $0xFFFFFFFF, s25;
	[sflag:s0] =	ssyncadd.s32 $0xFFFFFF80  }
.Ltmp3:
0xfc: {  	(pc) =	sbr.rel @p0 .LBB2_8-.Ltmp3, $3  }
0xfd: {  	_ =	sdelay $0x1  }
0xfe: {  	_ =	swait.ge [sflag:s0], $0x80  }
0xff: {  	[sflag:s0] =	ssyncset.done $0x0  }
0x100: {  	s1 =	sadd.s32 $0x1, s1  }
0x101: {  	p0 =	sne.s32 s1, s24  }
.Ltmp4:
0x102: {  	_ = 	snop;
	(pc) =	sbr.rel @p0 .LBB2_1-.Ltmp4, $2  }
0x103: {  	_ =	sdelay $0x2  }
0x104: {  	[sflag:s0] =	ssyncadd.s32 $0xFFFFFF80  }
0x105: {  	_ =	sfence.sel $0x180000  }
0x106: {  	[bflag:$0x0] =	sbarrier.arrive $0xFFFF  }
0x107: {  	_ =	strace $0x90000047  }
0x108: {  	s0 =	stileid.u32;
	[bflag:$0x2] =	sbarrier.arrive $0xFFFF  }
0x109: {  	p0 =	sne.s32 s0, $0x0;
	s0 =	rddreg [dreg:$0x2]  }
0x10a: {  	s0 =	sadd.s32 @!p0 $0x100000, s0  }
0x10b: {  	[sflag:s0] =	ssyncadd.tile.s32 @!p0 $0x1;
	_ =	shalt  }
.Lfunc_end2:
_tile_overlayer_lowered:
.L_overlay_start_2:
0x10c: {  	(tag) =	ssettag $0x2  }
0x10d: {  	s0 =	rddreg [dreg:$0x0];
	s2 =	stileid.u32  }
0x10e: {  	s1 =	rddreg [dreg:$0x1];
	p0 =	sne.s32 s2, $0x0  }
0x10f: {  	s3 =	rddreg [dreg:$0x2];
	[bflag:$0x3] =	sbarrier.arrive $0xFFFF;
	s2 =	simm.s32 @!p0 $0x1C04  }
0x110: {  	[timem:s3], [sflag:s2] =	dma.local @!p0 [hbm:s0], s1  }
0x111: {  	s0 =	simm.s32 @!p0 $0x4  }
0x112: {  	_ =	swait.ge @!p0 [sflag:s0], s1  }
0x113: {  	s1 =	ssub.s32 @!p0 $0x0, s1;
	[sflag:s0] =	ssyncset.done @!p0 $0x0  }
0x114: {  	[sflag:s0] =	ssyncadd.s32 @!p0 s1  }
0x115: {  	[bflag:$0x3] =	sbarrier.arrive $0xFFFF  }
0x116: {  	_ =	shalt  }

</sc_bundles>
